<compile_context>
chip_gen: v7x
topology: tpu7x:2x2x1
jax: 0.10.2.dev20260603
libtpu: 0.0.44.dev20260713+nightly
codegen_flags: <defaults>
</compile_context>

<pallas_src>
import jax
import jax.numpy as jnp
from jax import lax
from jax.experimental import pallas as pl
from jax.experimental.pallas import tpu as pltpu
from jax.experimental.pallas import tpu_sc as plsc

_TEMP = 0.3
_EPS = 1e-09
_EPS2 = 1e-10
_N = 4096
_V = 64
_Q = 2
_D = 64
_J = _V * _Q
_NC = 2
_NS = 16
_MR = 72


def _sc_meta_kernel(ti_hbm, meta_hbm,
                    ti_v, flags_v, rank_v, utp_v, meta_v):
    cid = lax.axis_index("c")
    sid = lax.axis_index("s")
    wid = sid * _NC + cid
    zeros16 = jnp.zeros((16,), jnp.int32)
    ones16 = jnp.ones((16,), jnp.int32)

    @pl.when(wid == 0)
    def _():
        pltpu.sync_copy(ti_hbm, ti_v)
        zf = jnp.zeros((16,), jnp.float32)
        onesf = jnp.ones((16,), jnp.float32)

        def _zero_row(r, _):
            for c in range(_J // 16):
                meta_v[r, pl.ds(c * 16, 16)] = zf
            return 0

        lax.fori_loop(0, _V + 1, _zero_row, 0, unroll=False)
        for c in range(_V // 16):
            flags_v[pl.ds(c * 16, 16)] = zeros16
            utp_v[pl.ds(c * 16, 16)] = zeros16

        def _presence(c, _):
            t = ti_v[pl.ds(c * 16, 16)]
            plsc.store_scatter(flags_v, [t], ones16)
            return 0

        lax.fori_loop(0, _N // 16, _presence, 0, unroll=4)
        carry = jnp.int32(0)
        for c in range(_V // 16):
            ch = flags_v[pl.ds(c * 16, 16)]
            inc = plsc.cumsum(ch)
            rank_v[pl.ds(c * 16, 16)] = inc - ch + carry
            carry = carry + jnp.sum(ch)
        u_cnt = carry
        for c in range(_V // 16):
            ch = flags_v[pl.ds(c * 16, 16)]
            rk = rank_v[pl.ds(c * 16, 16)]
            vals = lax.iota(jnp.int32, 16) + (c * 16)
            plsc.store_scatter(utp_v, [rk], vals, mask=(ch != 0))
        for c in range(_V // 16):
            vrow = lax.iota(jnp.int32, 16) + (c * 16)
            r = rank_v[pl.ds(c * 16, 16)]
            u1 = plsc.load_gather(utp_v, [lax.shift_right_logical(r, 1)])
            k1 = u1 * 2 + (r & 1)
            r2 = r + u_cnt
            u2 = plsc.load_gather(utp_v, [lax.shift_right_logical(r2, 1)])
            k2 = u2 * 2 + (r2 & 1)
            plsc.store_scatter(meta_v, [vrow, k1], onesf)
            plsc.store_scatter(meta_v, [vrow, k2], onesf)
        row64 = jnp.full((16,), _V, dtype=jnp.int32)
        for c in range(_J // 16):
            j = lax.iota(jnp.int32, 16) + c * 16
            s = lax.shift_right_logical(j, 1)
            u = plsc.load_gather(utp_v, [s])
            g = u * 2 + (j & 1)
            validm = j < 2 * u_cnt
            plsc.addupdate_scatter(meta_v, [row64, g], onesf, mask=validm)
        pltpu.sync_copy(meta_v, meta_hbm)


def _tc_dense_kernel(x_ref, y_ref, ti_ref, s_ref):
    x = x_ref[...]
    y2 = y_ref[...].reshape(_J, _D)
    ti = ti_ref[...].astype(jnp.int32)
    logits = lax.dot_general(x, y2, (((1,), (1,)), ((), ())),
                             preferred_element_type=jnp.float32)
    e = jnp.exp(logits * (1.0 / _TEMP))
    vals = lax.broadcasted_iota(jnp.int32, (1, _V), 1)
    onehot = (ti == vals).astype(jnp.float32)
    s_ref[...] = lax.dot_general(onehot, e, (((0,), (0,)), ((), ())),
                                 preferred_element_type=jnp.float32)


def _tc_combine_kernel(s_ref, meta_ref, out_ref):
    s = s_ref[...]
    meta = meta_ref[...]
    match = lax.slice(meta, (0, 0), (_V, _J))
    cnt = lax.slice(meta, (_V, 0), (_V + 1, _J))
    num = jnp.sum(s * match, axis=(0, 1), keepdims=True)
    colsum = jnp.sum(s, axis=0, keepdims=True)
    total = jnp.sum(colsum * cnt, axis=(0, 1), keepdims=True)
    den = total - num
    out_ref[...] = -jnp.log(num / (den + _EPS) + _EPS2)


@jax.jit
def kernel(x, track_idxs, y):
    ti = track_idxs.astype(jnp.int32)
    sc = pl.kernel(
        _sc_meta_kernel,
        out_type=jax.ShapeDtypeStruct((_MR, _J), jnp.float32),
        mesh=plsc.VectorSubcoreMesh(core_axis_name="c", subcore_axis_name="s",
                                    num_cores=_NC, num_subcores=_NS),
        compiler_params=pltpu.CompilerParams(needs_layout_passes=False),
        scratch_types=[
            pltpu.VMEM((_N,), jnp.int32),
            pltpu.VMEM((_V,), jnp.int32),
            pltpu.VMEM((_V,), jnp.int32),
            pltpu.VMEM((_V,), jnp.int32),
            pltpu.VMEM((_MR, _J), jnp.float32),
        ],
    )
    meta = sc(ti)
    s = pl.pallas_call(
        _tc_dense_kernel,
        out_shape=jax.ShapeDtypeStruct((_V, _J), jnp.float32),
    )(x, y, ti.astype(jnp.int8).reshape(_N, 1))
    out = pl.pallas_call(
        _tc_combine_kernel,
        out_shape=jax.ShapeDtypeStruct((1, 1), jnp.float32),
    )(s, meta)
    return out.reshape(1)

# --- scband reference (transcript-rebuilt; emitter-appended) ---
"""Pipeline reference for scband-contrastive-loss-84877143704308 (READ-ONLY COPY).

The authoritative reference and input builder live on the scoring server;
editing this copy changes nothing except your own understanding.
"""

import jax, jax.numpy as jnp
import numpy as np

TEMP = 0.3
EPS = 1e-09
EPS2 = 1e-10


def setup_inputs(seed: int = 0) -> dict:
    key = jax.random.key(seed)
    k1, k2, k3 = jax.random.split(key, 3)
    # scale embeddings so exp(dot/temp) stays finite
    x = jax.random.normal(k1, (4096, 64), dtype=jnp.float32) * 0.1
    track_idxs = jax.random.randint(k2, (4096,), 0, 64, dtype=jnp.int64)
    y = jax.random.normal(k3, (64, 2, 64), dtype=jnp.float32) * 0.1
    return {"x": x, "track_idxs": track_idxs, "y": y}


def reference(x, track_idxs, y):
    ti = track_idxs
    V, Q, d = y.shape
    vals = jnp.arange(V, dtype=ti.dtype)
    present = (ti[:, None] == vals[None, :]).any(axis=0)
    U = present.sum()
    ut_padded = jnp.sort(jnp.where(present, vals, vals + V))
    J = V * Q
    j = jnp.arange(J)
    valid = j < U * Q
    u_row = jnp.clip(ut_padded[j // Q], 0, V - 1)
    y_rows = y[u_row, j % Q, :]
    y_idxs = ut_padded[jnp.clip(j % jnp.maximum(U, 1), 0, V - 1)]
    e = jnp.exp((x @ y_rows.T) / TEMP)
    num = jnp.zeros((1,), dtype=jnp.float32)
    den = jnp.zeros((1,), dtype=jnp.float32)
    for uid in range(V):
        x_map = ti == uid
        has = x_map.any()
        y_map = (y_idxs == uid) & valid
        y_neg = (~y_map) & valid
        num_v = (e * (x_map[:, None] & y_map[None, :])).sum()
        den_v = (e * (x_map[:, None] & y_neg[None, :])).sum()
        num = num + jnp.where(has, num_v, jnp.float32(0.0))
        den = den + jnp.where(has, den_v, jnp.float32(0.0))
    loss = -jnp.log(num / (den + EPS) + EPS2)
    return loss

if __name__ == "__main__":
    import jax
    _d = setup_inputs()
    print(jax.jit(kernel)(*tuple(_d.values())))

</pallas_src>

<mosaic_0001>
#map = affine_map<(d0, d1) -> (0)>
#map1 = affine_map<(d0, d1) -> (0, 0)>
module attributes {stable_mosaic.version = 14 : i64} {
  func.func @_sc_meta_kernel(%arg0: i32, %arg1: i32, %arg2: memref<4096xi32, #tpu.memory_space<hbm>>, %arg3: memref<72x128xf32, #tpu.memory_space<hbm>>, %arg4: memref<4096xi32, #tpu.memory_space<vmem>>, %arg5: memref<64xi32, #tpu.memory_space<vmem>>, %arg6: memref<64xi32, #tpu.memory_space<vmem>>, %arg7: memref<64xi32, #tpu.memory_space<vmem>>, %arg8: memref<72x128xf32, #tpu.memory_space<vmem>>) attributes {dimension_semantics = [#tpu.dimension_semantics<core_parallel>, #tpu.dimension_semantics<subcore_parallel>], iteration_bounds = array<i64: 2, 16>, scalar_prefetch = 0 : i64, scratch_operands = 5 : i64, tpu.core_type = #tpu.core_type<sc_vector_subcore>, window_params = [{transform_indices = #map}, {transform_indices = #map1}]} {
    %mul3A = arith.constant 2 : i32
    %mul3A_0 = arith.muli %arg1, %mul3A : i32
    %add3A = arith.addi %mul3A_0, %arg0 : i32
    %broadcast_in_dim3A = arith.constant 0 : i32
    %broadcast_in_dim3A_1 = vector.broadcast %broadcast_in_dim3A : i32 to vector<16xi32>
    %broadcast_in_dim3A_2 = arith.constant 1 : i32
    %broadcast_in_dim3A_3 = vector.broadcast %broadcast_in_dim3A_2 : i32 to vector<16xi32>
    %eq3A = arith.constant 0 : i32
    %eq3A_4 = arith.cmpi eq, %add3A, %eq3A : i32
    %convert_element_type3A = arith.extui %eq3A_4 : i1 to i32
    %cond3A = arith.constant 0 : i32
    %cond3A_5 = arith.cmpi ne, %convert_element_type3A, %cond3A : i32
    scf.if %cond3A_5 {
      "tpu.region"() ({
        %run_scoped3A = tpu.sem_alloc : memref<!tpu.dma_semaphore, #tpu.memory_space<semaphore_mem>>
        tpu.enqueue_dma source(%arg2 : memref<4096xi32, #tpu.memory_space<hbm>>) target(%arg4 : memref<4096xi32, #tpu.memory_space<vmem>>) target_semaphore(%run_scoped3A : memref<!tpu.dma_semaphore, #tpu.memory_space<semaphore_mem>>)
        tpu.wait_dma2 semaphore(%run_scoped3A : memref<!tpu.dma_semaphore, #tpu.memory_space<semaphore_mem>>) src(%arg2 : memref<4096xi32, #tpu.memory_space<hbm>>) dst(%arg4 : memref<4096xi32, #tpu.memory_space<vmem>>)
        tpu.yield
      }) : () -> ()
      %broadcast_in_dim3A_6 = arith.constant 0.000000e+00 : f32
      %broadcast_in_dim3A_7 = vector.broadcast %broadcast_in_dim3A_6 : f32 to vector<16xf32>
      %broadcast_in_dim3A_8 = arith.constant 1.000000e+00 : f32
      %broadcast_in_dim3A_9 = vector.broadcast %broadcast_in_dim3A_8 : f32 to vector<16xf32>
      %scan3A = arith.constant 0 : i32
      %scan3A_10 = arith.constant 0 : i32
      %scan3A_11 = arith.constant 65 : i32
      %scan3A_12 = arith.addi %scan3A_10, %scan3A_11 : i32
      %scan3A_13 = arith.constant 1 : i32
      %scan3A_14 = scf.for %scan3A_408 = %scan3A_10 to %scan3A_12 step %scan3A_13 iter_args(%scan3A_409 = %scan3A) -> (i32)  : i32 {
        %swap3A_410 = arith.index_cast %scan3A_408 : i32 to index
        %swap3A_411 = arith.constant 0 : index
        %swap3A_412 = tpu.vector_load %arg8[%swap3A_410, %swap3A_411] {strides = array<i32>} : memref<72x128xf32, #tpu.memory_space<vmem>>, vector<16xf32>,
        tpu.vector_store %arg8[%swap3A_410, %swap3A_411], %broadcast_in_dim3A_7 {strides = array<i32>} : memref<72x128xf32, #tpu.memory_space<vmem>>, vector<16xf32>,
        %swap3A_413 = arith.index_cast %scan3A_408 : i32 to index
        %swap3A_414 = arith.constant 16 : index
        %swap3A_415 = tpu.vector_load %arg8[%swap3A_413, %swap3A_414] {strides = array<i32>} : memref<72x128xf32, #tpu.memory_space<vmem>>, vector<16xf32>,
        tpu.vector_store %arg8[%swap3A_413, %swap3A_414], %broadcast_in_dim3A_7 {strides = array<i32>} : memref<72x128xf32, #tpu.memory_space<vmem>>, vector<16xf32>,
        %swap3A_416 = arith.index_cast %scan3A_408 : i32 to index
        %swap3A_417 = arith.constant 32 : index
        %swap3A_418 = tpu.vector_load %arg8[%swap3A_416, %swap3A_417] {strides = array<i32>} : memref<72x128xf32, #tpu.memory_space<vmem>>, vector<16xf32>,
        tpu.vector_store %arg8[%swap3A_416, %swap3A_417], %broadcast_in_dim3A_7 {strides = array<i32>} : memref<72x128xf32, #tpu.memory_space<vmem>>, vector<16xf32>,
        %swap3A_419 = arith.index_cast %scan3A_408 : i32 to index
        %swap3A_420 = arith.constant 48 : index
        %swap3A_421 = tpu.vector_load %arg8[%swap3A_419, %swap3A_420] {strides = array<i32>} : memref<72x128xf32, #tpu.memory_space<vmem>>, vector<16xf32>,
        tpu.vector_store %arg8[%swap3A_419, %swap3A_420], %broadcast_in_dim3A_7 {strides = array<i32>} : memref<72x128xf32, #tpu.memory_space<vmem>>, vector<16xf32>,
        %swap3A_422 = arith.index_cast %scan3A_408 : i32 to index
        %swap3A_423 = arith.constant 64 : index
        %swap3A_424 = tpu.vector_load %arg8[%swap3A_422, %swap3A_423] {strides = array<i32>} : memref<72x128xf32, #tpu.memory_space<vmem>>, vector<16xf32>,
        tpu.vector_store %arg8[%swap3A_422, %swap3A_423], %broadcast_in_dim3A_7 {strides = array<i32>} : memref<72x128xf32, #tpu.memory_space<vmem>>, vector<16xf32>,
        %swap3A_425 = arith.index_cast %scan3A_408 : i32 to index
        %swap3A_426 = arith.constant 80 : index
        %swap3A_427 = tpu.vector_load %arg8[%swap3A_425, %swap3A_426] {strides = array<i32>} : memref<72x128xf32, #tpu.memory_space<vmem>>, vector<16xf32>,
        tpu.vector_store %arg8[%swap3A_425, %swap3A_426], %broadcast_in_dim3A_7 {strides = array<i32>} : memref<72x128xf32, #tpu.memory_space<vmem>>, vector<16xf32>,
        %swap3A_428 = arith.index_cast %scan3A_408 : i32 to index
        %swap3A_429 = arith.constant 96 : index
        %swap3A_430 = tpu.vector_load %arg8[%swap3A_428, %swap3A_429] {strides = array<i32>} : memref<72x128xf32, #tpu.memory_space<vmem>>, vector<16xf32>,
        tpu.vector_store %arg8[%swap3A_428, %swap3A_429], %broadcast_in_dim3A_7 {strides = array<i32>} : memref<72x128xf32, #tpu.memory_space<vmem>>, vector<16xf32>,
        %swap3A_431 = arith.index_cast %scan3A_408 : i32 to index
        %swap3A_432 = arith.constant 112 : index
        %swap3A_433 = tpu.vector_load %arg8[%swap3A_431, %swap3A_432] {strides = array<i32>} : memref<72x128xf32, #tpu.memory_space<vmem>>, vector<16xf32>,
        tpu.vector_store %arg8[%swap3A_431, %swap3A_432], %broadcast_in_dim3A_7 {strides = array<i32>} : memref<72x128xf32, #tpu.memory_space<vmem>>, vector<16xf32>,
        %scan3A_434 = arith.constant 0 : i32
        scf.yield %scan3A_434 : i32
      }
      %scan3A_15 = arith.constant 65 : i32
      %swap3A = arith.constant 0 : index
      %swap3A_16 = tpu.vector_load %arg5[%swap3A] {strides = array<i32>} : memref<64xi32, #tpu.memory_space<vmem>>, vector<16xi32>,
      tpu.vector_store %arg5[%swap3A], %broadcast_in_dim3A_1 {strides = array<i32>} : memref<64xi32, #tpu.memory_space<vmem>>, vector<16xi32>,
      %swap3A_17 = arith.constant 0 : index
      %swap3A_18 = tpu.vector_load %arg7[%swap3A_17] {strides = array<i32>} : memref<64xi32, #tpu.memory_space<vmem>>, vector<16xi32>,
      tpu.vector_store %arg7[%swap3A_17], %broadcast_in_dim3A_1 {strides = array<i32>} : memref<64xi32, #tpu.memory_space<vmem>>, vector<16xi32>,
      %swap3A_19 = arith.constant 16 : index
      %swap3A_20 = tpu.vector_load %arg5[%swap3A_19] {strides = array<i32>} : memref<64xi32, #tpu.memory_space<vmem>>, vector<16xi32>,
      tpu.vector_store %arg5[%swap3A_19], %broadcast_in_dim3A_1 {strides = array<i32>} : memref<64xi32, #tpu.memory_space<vmem>>, vector<16xi32>,
      %swap3A_21 = arith.constant 16 : index
      %swap3A_22 = tpu.vector_load %arg7[%swap3A_21] {strides = array<i32>} : memref<64xi32, #tpu.memory_space<vmem>>, vector<16xi32>,
      tpu.vector_store %arg7[%swap3A_21], %broadcast_in_dim3A_1 {strides = array<i32>} : memref<64xi32, #tpu.memory_space<vmem>>, vector<16xi32>,
      %swap3A_23 = arith.constant 32 : index
      %swap3A_24 = tpu.vector_load %arg5[%swap3A_23] {strides = array<i32>} : memref<64xi32, #tpu.memory_space<vmem>>, vector<16xi32>,
      tpu.vector_store %arg5[%swap3A_23], %broadcast_in_dim3A_1 {strides = array<i32>} : memref<64xi32, #tpu.memory_space<vmem>>, vector<16xi32>,
      %swap3A_25 = arith.constant 32 : index
      %swap3A_26 = tpu.vector_load %arg7[%swap3A_25] {strides = array<i32>} : memref<64xi32, #tpu.memory_space<vmem>>, vector<16xi32>,
      tpu.vector_store %arg7[%swap3A_25], %broadcast_in_dim3A_1 {strides = array<i32>} : memref<64xi32, #tpu.memory_space<vmem>>, vector<16xi32>,
      %swap3A_27 = arith.constant 48 : index
      %swap3A_28 = tpu.vector_load %arg5[%swap3A_27] {strides = array<i32>} : memref<64xi32, #tpu.memory_space<vmem>>, vector<16xi32>,
      tpu.vector_store %arg5[%swap3A_27], %broadcast_in_dim3A_1 {strides = array<i32>} : memref<64xi32, #tpu.memory_space<vmem>>, vector<16xi32>,
      %swap3A_29 = arith.constant 48 : index
      %swap3A_30 = tpu.vector_load %arg7[%swap3A_29] {strides = array<i32>} : memref<64xi32, #tpu.memory_space<vmem>>, vector<16xi32>,
      tpu.vector_store %arg7[%swap3A_29], %broadcast_in_dim3A_1 {strides = array<i32>} : memref<64xi32, #tpu.memory_space<vmem>>, vector<16xi32>,
      %scan3A_31 = arith.constant 0 : i32
      %scan3A_32 = arith.constant 0 : i32
      %scan3A_33 = arith.constant 256 : i32
      %scan3A_34 = arith.addi %scan3A_32, %scan3A_33 : i32
      %scan3A_35 = arith.constant 4 : i32
      %scan3A_36 = scf.for %scan3A_408 = %scan3A_32 to %scan3A_34 step %scan3A_35 iter_args(%scan3A_409 = %scan3A_31) -> (i32)  : i32 {
        %mul3A_410 = arith.constant 16 : i32
        %mul3A_411 = arith.muli %scan3A_408, %mul3A_410 : i32
        %get3A_412 = arith.index_cast %mul3A_411 : i32 to index
        %get3A_413 = tpu.vector_load %arg4[%get3A_412] {strides = array<i32>} : memref<4096xi32, #tpu.memory_space<vmem>>, vector<16xi32>,
        tpu.vector_store_idx %arg5[%get3A_413], %broadcast_in_dim3A_3 : memref<64xi32, #tpu.memory_space<vmem>>[vector<16xi32>], vector<16xi32>,
        %scan3A_414 = arith.constant 0 : i32
        %scan3A_415 = arith.constant 1 : i32
        %scan3A_416 = arith.addi %scan3A_408, %scan3A_415 : i32
        %mul3A_417 = arith.constant 16 : i32
        %mul3A_418 = arith.muli %scan3A_416, %mul3A_417 : i32
        %get3A_419 = arith.index_cast %mul3A_418 : i32 to index
        %get3A_420 = tpu.vector_load %arg4[%get3A_419] {strides = array<i32>} : memref<4096xi32, #tpu.memory_space<vmem>>, vector<16xi32>,
        tpu.vector_store_idx %arg5[%get3A_420], %broadcast_in_dim3A_3 : memref<64xi32, #tpu.memory_space<vmem>>[vector<16xi32>], vector<16xi32>,
        %scan3A_421 = arith.constant 0 : i32
        %scan3A_422 = arith.constant 2 : i32
        %scan3A_423 = arith.addi %scan3A_408, %scan3A_422 : i32
        %mul3A_424 = arith.constant 16 : i32
        %mul3A_425 = arith.muli %scan3A_423, %mul3A_424 : i32
        %get3A_426 = arith.index_cast %mul3A_425 : i32 to index
        %get3A_427 = tpu.vector_load %arg4[%get3A_426] {strides = array<i32>} : memref<4096xi32, #tpu.memory_space<vmem>>, vector<16xi32>,
        tpu.vector_store_idx %arg5[%get3A_427], %broadcast_in_dim3A_3 : memref<64xi32, #tpu.memory_space<vmem>>[vector<16xi32>], vector<16xi32>,
        %scan3A_428 = arith.constant 0 : i32
        %scan3A_429 = arith.constant 3 : i32
        %scan3A_430 = arith.addi %scan3A_408, %scan3A_429 : i32
        %mul3A_431 = arith.constant 16 : i32
        %mul3A_432 = arith.muli %scan3A_430, %mul3A_431 : i32
        %get3A_433 = arith.index_cast %mul3A_432 : i32 to index
        %get3A_434 = tpu.vector_load %arg4[%get3A_433] {strides = array<i32>} : memref<4096xi32, #tpu.memory_space<vmem>>, vector<16xi32>,
        tpu.vector_store_idx %arg5[%get3A_434], %broadcast_in_dim3A_3 : memref<64xi32, #tpu.memory_space<vmem>>[vector<16xi32>], vector<16xi32>,
        %scan3A_435 = arith.constant 0 : i32
        scf.yield %scan3A_435 : i32
      }
      %scan3A_37 = arith.constant 256 : i32
      %get3A = arith.constant 0 : index
      %get3A_38 = tpu.vector_load %arg5[%get3A] {strides = array<i32>} : memref<64xi32, #tpu.memory_space<vmem>>, vector<16xi32>,
      %broadcast_in_dim3A_39 = arith.constant true
      %broadcast_in_dim3A_40 = vector.broadcast %broadcast_in_dim3A_39 : i1 to vector<16xi1>
      %masked_cumsum3A = tpu.scan <sum>, %get3A_38 masked %broadcast_in_dim3A_40 : vector<16xi32>, vector<16xi1> -> vector<16xi32>
      %sub3A = arith.subi %masked_cumsum3A, %get3A_38 : vector<16xi32>
      %add3A_41 = arith.constant 0 : i32
      %add3A_42 = vector.broadcast %add3A_41 : i32 to vector<16xi32>
      %add3A_43 = arith.addi %sub3A, %add3A_42 : vector<16xi32>
      %swap3A_44 = arith.constant 0 : index
      %swap3A_45 = tpu.vector_load %arg6[%swap3A_44] {strides = array<i32>} : memref<64xi32, #tpu.memory_space<vmem>>, vector<16xi32>,
      tpu.vector_store %arg6[%swap3A_44], %add3A_43 {strides = array<i32>} : memref<64xi32, #tpu.memory_space<vmem>>, vector<16xi32>,
      %reduce_sum3A = arith.constant true
      %reduce_sum3A_46 = vector.broadcast %reduce_sum3A : i1 to vector<16xi1>
      %reduce_sum3A_47 = tpu.scan <sum>, %get3A_38 masked %reduce_sum3A_46 : vector<16xi32>, vector<16xi1> -> vector<16xi32>
      %reduce_sum3A_48 = vector.extract %reduce_sum3A_47[15] : i32 from vector<16xi32>
      %add3A_49 = arith.constant 0 : i32
      %add3A_50 = arith.addi %add3A_49, %reduce_sum3A_48 : i32
      %get3A_51 = arith.constant 16 : index
      %get3A_52 = tpu.vector_load %arg5[%get3A_51] {strides = array<i32>} : memref<64xi32, #tpu.memory_space<vmem>>, vector<16xi32>,
      %broadcast_in_dim3A_53 = arith.constant true
      %broadcast_in_dim3A_54 = vector.broadcast %broadcast_in_dim3A_53 : i1 to vector<16xi1>
      %masked_cumsum3A_55 = tpu.scan <sum>, %get3A_52 masked %broadcast_in_dim3A_54 : vector<16xi32>, vector<16xi1> -> vector<16xi32>
      %sub3A_56 = arith.subi %masked_cumsum3A_55, %get3A_52 : vector<16xi32>
      %add3A_57 = vector.broadcast %add3A_50 : i32 to vector<16xi32>
      %add3A_58 = arith.addi %sub3A_56, %add3A_57 : vector<16xi32>
      %swap3A_59 = arith.constant 16 : index
      %swap3A_60 = tpu.vector_load %arg6[%swap3A_59] {strides = array<i32>} : memref<64xi32, #tpu.memory_space<vmem>>, vector<16xi32>,
      tpu.vector_store %arg6[%swap3A_59], %add3A_58 {strides = array<i32>} : memref<64xi32, #tpu.memory_space<vmem>>, vector<16xi32>,
      %reduce_sum3A_61 = arith.constant true
      %reduce_sum3A_62 = vector.broadcast %reduce_sum3A_61 : i1 to vector<16xi1>
      %reduce_sum3A_63 = tpu.scan <sum>, %get3A_52 masked %reduce_sum3A_62 : vector<16xi32>, vector<16xi1> -> vector<16xi32>
      %reduce_sum3A_64 = vector.extract %reduce_sum3A_63[15] : i32 from vector<16xi32>
      %add3A_65 = arith.addi %add3A_50, %reduce_sum3A_64 : i32
      %get3A_66 = arith.constant 32 : index
      %get3A_67 = tpu.vector_load %arg5[%get3A_66] {strides = array<i32>} : memref<64xi32, #tpu.memory_space<vmem>>, vector<16xi32>,
      %broadcast_in_dim3A_68 = arith.constant true
      %broadcast_in_dim3A_69 = vector.broadcast %broadcast_in_dim3A_68 : i1 to vector<16xi1>
      %masked_cumsum3A_70 = tpu.scan <sum>, %get3A_67 masked %broadcast_in_dim3A_69 : vector<16xi32>, vector<16xi1> -> vector<16xi32>
      %sub3A_71 = arith.subi %masked_cumsum3A_70, %get3A_67 : vector<16xi32>
      %add3A_72 = vector.broadcast %add3A_65 : i32 to vector<16xi32>
      %add3A_73 = arith.addi %sub3A_71, %add3A_72 : vector<16xi32>
      %swap3A_74 = arith.constant 32 : index
      %swap3A_75 = tpu.vector_load %arg6[%swap3A_74] {strides = array<i32>} : memref<64xi32, #tpu.memory_space<vmem>>, vector<16xi32>,
      tpu.vector_store %arg6[%swap3A_74], %add3A_73 {strides = array<i32>} : memref<64xi32, #tpu.memory_space<vmem>>, vector<16xi32>,
      %reduce_sum3A_76 = arith.constant true
      %reduce_sum3A_77 = vector.broadcast %reduce_sum3A_76 : i1 to vector<16xi1>
      %reduce_sum3A_78 = tpu.scan <sum>, %get3A_67 masked %reduce_sum3A_77 : vector<16xi32>, vector<16xi1> -> vector<16xi32>
      %reduce_sum3A_79 = vector.extract %reduce_sum3A_78[15] : i32 from vector<16xi32>
      %add3A_80 = arith.addi %add3A_65, %reduce_sum3A_79 : i32
      %get3A_81 = arith.constant 48 : index
      %get3A_82 = tpu.vector_load %arg5[%get3A_81] {strides = array<i32>} : memref<64xi32, #tpu.memory_space<vmem>>, vector<16xi32>,
      %broadcast_in_dim3A_83 = arith.constant true
      %broadcast_in_dim3A_84 = vector.broadcast %broadcast_in_dim3A_83 : i1 to vector<16xi1>
      %masked_cumsum3A_85 = tpu.scan <sum>, %get3A_82 masked %broadcast_in_dim3A_84 : vector<16xi32>, vector<16xi1> -> vector<16xi32>
      %sub3A_86 = arith.subi %masked_cumsum3A_85, %get3A_82 : vector<16xi32>
      %add3A_87 = vector.broadcast %add3A_80 : i32 to vector<16xi32>
      %add3A_88 = arith.addi %sub3A_86, %add3A_87 : vector<16xi32>
      %swap3A_89 = arith.constant 48 : index
      %swap3A_90 = tpu.vector_load %arg6[%swap3A_89] {strides = array<i32>} : memref<64xi32, #tpu.memory_space<vmem>>, vector<16xi32>,
      tpu.vector_store %arg6[%swap3A_89], %add3A_88 {strides = array<i32>} : memref<64xi32, #tpu.memory_space<vmem>>, vector<16xi32>,
      %reduce_sum3A_91 = arith.constant true
      %reduce_sum3A_92 = vector.broadcast %reduce_sum3A_91 : i1 to vector<16xi1>
      %reduce_sum3A_93 = tpu.scan <sum>, %get3A_82 masked %reduce_sum3A_92 : vector<16xi32>, vector<16xi1> -> vector<16xi32>
      %reduce_sum3A_94 = vector.extract %reduce_sum3A_93[15] : i32 from vector<16xi32>
      %add3A_95 = arith.addi %add3A_80, %reduce_sum3A_94 : i32
      %get3A_96 = arith.constant 0 : index
      %get3A_97 = tpu.vector_load %arg5[%get3A_96] {strides = array<i32>} : memref<64xi32, #tpu.memory_space<vmem>>, vector<16xi32>,
      %get3A_98 = arith.constant 0 : index
      %get3A_99 = tpu.vector_load %arg6[%get3A_98] {strides = array<i32>} : memref<64xi32, #tpu.memory_space<vmem>>, vector<16xi32>,
      %iota3A = tpu.iota {dimensions = array<i32: 0>} : vector<16xi32>
      %add3A_100 = arith.constant 0 : i32
      %add3A_101 = vector.broadcast %add3A_100 : i32 to vector<16xi32>
      %add3A_102 = arith.addi %iota3A, %add3A_101 : vector<16xi32>
      %ne3A = arith.constant 0 : i32
      %ne3A_103 = vector.broadcast %ne3A : i32 to vector<16xi32>
      %ne3A_104 = arith.cmpi ne, %get3A_97, %ne3A_103 : vector<16xi32>
      tpu.vector_store_idx %arg7[%get3A_99], %add3A_102 masked %ne3A_104 : memref<64xi32, #tpu.memory_space<vmem>>[vector<16xi32>], vector<16xi32>, vector<16xi1>
      %get3A_105 = arith.constant 16 : index
      %get3A_106 = tpu.vector_load %arg5[%get3A_105] {strides = array<i32>} : memref<64xi32, #tpu.memory_space<vmem>>, vector<16xi32>,
      %get3A_107 = arith.constant 16 : index
      %get3A_108 = tpu.vector_load %arg6[%get3A_107] {strides = array<i32>} : memref<64xi32, #tpu.memory_space<vmem>>, vector<16xi32>,
      %iota3A_109 = tpu.iota {dimensions = array<i32: 0>} : vector<16xi32>
      %add3A_110 = arith.constant 16 : i32
      %add3A_111 = vector.broadcast %add3A_110 : i32 to vector<16xi32>
      %add3A_112 = arith.addi %iota3A_109, %add3A_111 : vector<16xi32>
      %ne3A_113 = arith.constant 0 : i32
      %ne3A_114 = vector.broadcast %ne3A_113 : i32 to vector<16xi32>
      %ne3A_115 = arith.cmpi ne, %get3A_106, %ne3A_114 : vector<16xi32>
      tpu.vector_store_idx %arg7[%get3A_108], %add3A_112 masked %ne3A_115 : memref<64xi32, #tpu.memory_space<vmem>>[vector<16xi32>], vector<16xi32>, vector<16xi1>
      %get3A_116 = arith.constant 32 : index
      %get3A_117 = tpu.vector_load %arg5[%get3A_116] {strides = array<i32>} : memref<64xi32, #tpu.memory_space<vmem>>, vector<16xi32>,
      %get3A_118 = arith.constant 32 : index
      %get3A_119 = tpu.vector_load %arg6[%get3A_118] {strides = array<i32>} : memref<64xi32, #tpu.memory_space<vmem>>, vector<16xi32>,
      %iota3A_120 = tpu.iota {dimensions = array<i32: 0>} : vector<16xi32>
      %add3A_121 = arith.constant 32 : i32
      %add3A_122 = vector.broadcast %add3A_121 : i32 to vector<16xi32>
      %add3A_123 = arith.addi %iota3A_120, %add3A_122 : vector<16xi32>
      %ne3A_124 = arith.constant 0 : i32
      %ne3A_125 = vector.broadcast %ne3A_124 : i32 to vector<16xi32>
      %ne3A_126 = arith.cmpi ne, %get3A_117, %ne3A_125 : vector<16xi32>
      tpu.vector_store_idx %arg7[%get3A_119], %add3A_123 masked %ne3A_126 : memref<64xi32, #tpu.memory_space<vmem>>[vector<16xi32>], vector<16xi32>, vector<16xi1>
      %get3A_127 = arith.constant 48 : index
      %get3A_128 = tpu.vector_load %arg5[%get3A_127] {strides = array<i32>} : memref<64xi32, #tpu.memory_space<vmem>>, vector<16xi32>,
      %get3A_129 = arith.constant 48 : index
      %get3A_130 = tpu.vector_load %arg6[%get3A_129] {strides = array<i32>} : memref<64xi32, #tpu.memory_space<vmem>>, vector<16xi32>,
      %iota3A_131 = tpu.iota {dimensions = array<i32: 0>} : vector<16xi32>
      %add3A_132 = arith.constant 48 : i32
      %add3A_133 = vector.broadcast %add3A_132 : i32 to vector<16xi32>
      %add3A_134 = arith.addi %iota3A_131, %add3A_133 : vector<16xi32>
      %ne3A_135 = arith.constant 0 : i32
      %ne3A_136 = vector.broadcast %ne3A_135 : i32 to vector<16xi32>
      %ne3A_137 = arith.cmpi ne, %get3A_128, %ne3A_136 : vector<16xi32>
      tpu.vector_store_idx %arg7[%get3A_130], %add3A_134 masked %ne3A_137 : memref<64xi32, #tpu.memory_space<vmem>>[vector<16xi32>], vector<16xi32>, vector<16xi1>
      %iota3A_138 = tpu.iota {dimensions = array<i32: 0>} : vector<16xi32>
      %add3A_139 = arith.constant 0 : i32
      %add3A_140 = vector.broadcast %add3A_139 : i32 to vector<16xi32>
      %add3A_141 = arith.addi %iota3A_138, %add3A_140 : vector<16xi32>
      %get3A_142 = arith.constant 0 : index
      %get3A_143 = tpu.vector_load %arg6[%get3A_142] {strides = array<i32>} : memref<64xi32, #tpu.memory_space<vmem>>, vector<16xi32>,
      %shift_right_logical3A = arith.constant 1 : i32
      %shift_right_logical3A_144 = vector.broadcast %shift_right_logical3A : i32 to vector<16xi32>
      %shift_right_logical3A_145 = arith.shrui %get3A_143, %shift_right_logical3A_144 : vector<16xi32>
      %gather3A = tpu.vector_load_idx %arg7[%shift_right_logical3A_145] : memref<64xi32, #tpu.memory_space<vmem>>[vector<16xi32>], vector<16xi32>,
      %mul3A_146 = arith.constant 2 : i32
      %mul3A_147 = vector.broadcast %mul3A_146 : i32 to vector<16xi32>
      %mul3A_148 = arith.muli %gather3A, %mul3A_147 : vector<16xi32>
      %and3A = arith.constant 1 : i32
      %and3A_149 = vector.broadcast %and3A : i32 to vector<16xi32>
      %and3A_150 = arith.andi %get3A_143, %and3A_149 : vector<16xi32>
      %add3A_151 = arith.addi %mul3A_148, %and3A_150 : vector<16xi32>
      %add3A_152 = vector.broadcast %add3A_95 : i32 to vector<16xi32>
      %add3A_153 = arith.addi %get3A_143, %add3A_152 : vector<16xi32>
      %shift_right_logical3A_154 = arith.constant 1 : i32
      %shift_right_logical3A_155 = vector.broadcast %shift_right_logical3A_154 : i32 to vector<16xi32>
      %shift_right_logical3A_156 = arith.shrui %add3A_153, %shift_right_logical3A_155 : vector<16xi32>
      %gather3A_157 = tpu.vector_load_idx %arg7[%shift_right_logical3A_156] : memref<64xi32, #tpu.memory_space<vmem>>[vector<16xi32>], vector<16xi32>,
      %mul3A_158 = arith.constant 2 : i32
      %mul3A_159 = vector.broadcast %mul3A_158 : i32 to vector<16xi32>
      %mul3A_160 = arith.muli %gather3A_157, %mul3A_159 : vector<16xi32>
      %and3A_161 = arith.constant 1 : i32
      %and3A_162 = vector.broadcast %and3A_161 : i32 to vector<16xi32>
      %and3A_163 = arith.andi %add3A_153, %and3A_162 : vector<16xi32>
      %add3A_164 = arith.addi %mul3A_160, %and3A_163 : vector<16xi32>
      tpu.vector_store_idx %arg8[%add3A_141, %add3A_151], %broadcast_in_dim3A_9 : memref<72x128xf32, #tpu.memory_space<vmem>>[vector<16xi32>, vector<16xi32>], vector<16xf32>,
      tpu.vector_store_idx %arg8[%add3A_141, %add3A_164], %broadcast_in_dim3A_9 : memref<72x128xf32, #tpu.memory_space<vmem>>[vector<16xi32>, vector<16xi32>], vector<16xf32>,
      %iota3A_165 = tpu.iota {dimensions = array<i32: 0>} : vector<16xi32>
      %add3A_166 = arith.constant 16 : i32
      %add3A_167 = vector.broadcast %add3A_166 : i32 to vector<16xi32>
      %add3A_168 = arith.addi %iota3A_165, %add3A_167 : vector<16xi32>
      %get3A_169 = arith.constant 16 : index
      %get3A_170 = tpu.vector_load %arg6[%get3A_169] {strides = array<i32>} : memref<64xi32, #tpu.memory_space<vmem>>, vector<16xi32>,
      %shift_right_logical3A_171 = arith.constant 1 : i32
      %shift_right_logical3A_172 = vector.broadcast %shift_right_logical3A_171 : i32 to vector<16xi32>
      %shift_right_logical3A_173 = arith.shrui %get3A_170, %shift_right_logical3A_172 : vector<16xi32>
      %gather3A_174 = tpu.vector_load_idx %arg7[%shift_right_logical3A_173] : memref<64xi32, #tpu.memory_space<vmem>>[vector<16xi32>], vector<16xi32>,
      %mul3A_175 = arith.constant 2 : i32
      %mul3A_176 = vector.broadcast %mul3A_175 : i32 to vector<16xi32>
      %mul3A_177 = arith.muli %gather3A_174, %mul3A_176 : vector<16xi32>
      %and3A_178 = arith.constant 1 : i32
      %and3A_179 = vector.broadcast %and3A_178 : i32 to vector<16xi32>
      %and3A_180 = arith.andi %get3A_170, %and3A_179 : vector<16xi32>
      %add3A_181 = arith.addi %mul3A_177, %and3A_180 : vector<16xi32>
      %add3A_182 = vector.broadcast %add3A_95 : i32 to vector<16xi32>
      %add3A_183 = arith.addi %get3A_170, %add3A_182 : vector<16xi32>
      %shift_right_logical3A_184 = arith.constant 1 : i32
      %shift_right_logical3A_185 = vector.broadcast %shift_right_logical3A_184 : i32 to vector<16xi32>
      %shift_right_logical3A_186 = arith.shrui %add3A_183, %shift_right_logical3A_185 : vector<16xi32>
      %gather3A_187 = tpu.vector_load_idx %arg7[%shift_right_logical3A_186] : memref<64xi32, #tpu.memory_space<vmem>>[vector<16xi32>], vector<16xi32>,
      %mul3A_188 = arith.constant 2 : i32
      %mul3A_189 = vector.broadcast %mul3A_188 : i32 to vector<16xi32>
      %mul3A_190 = arith.muli %gather3A_187, %mul3A_189 : vector<16xi32>
      %and3A_191 = arith.constant 1 : i32
      %and3A_192 = vector.broadcast %and3A_191 : i32 to vector<16xi32>
      %and3A_193 = arith.andi %add3A_183, %and3A_192 : vector<16xi32>
      %add3A_194 = arith.addi %mul3A_190, %and3A_193 : vector<16xi32>
      tpu.vector_store_idx %arg8[%add3A_168, %add3A_181], %broadcast_in_dim3A_9 : memref<72x128xf32, #tpu.memory_space<vmem>>[vector<16xi32>, vector<16xi32>], vector<16xf32>,
      tpu.vector_store_idx %arg8[%add3A_168, %add3A_194], %broadcast_in_dim3A_9 : memref<72x128xf32, #tpu.memory_space<vmem>>[vector<16xi32>, vector<16xi32>], vector<16xf32>,
      %iota3A_195 = tpu.iota {dimensions = array<i32: 0>} : vector<16xi32>
      %add3A_196 = arith.constant 32 : i32
      %add3A_197 = vector.broadcast %add3A_196 : i32 to vector<16xi32>
      %add3A_198 = arith.addi %iota3A_195, %add3A_197 : vector<16xi32>
      %get3A_199 = arith.constant 32 : index
      %get3A_200 = tpu.vector_load %arg6[%get3A_199] {strides = array<i32>} : memref<64xi32, #tpu.memory_space<vmem>>, vector<16xi32>,
      %shift_right_logical3A_201 = arith.constant 1 : i32
      %shift_right_logical3A_202 = vector.broadcast %shift_right_logical3A_201 : i32 to vector<16xi32>
      %shift_right_logical3A_203 = arith.shrui %get3A_200, %shift_right_logical3A_202 : vector<16xi32>
      %gather3A_204 = tpu.vector_load_idx %arg7[%shift_right_logical3A_203] : memref<64xi32, #tpu.memory_space<vmem>>[vector<16xi32>], vector<16xi32>,
      %mul3A_205 = arith.constant 2 : i32
      %mul3A_206 = vector.broadcast %mul3A_205 : i32 to vector<16xi32>
      %mul3A_207 = arith.muli %gather3A_204, %mul3A_206 : vector<16xi32>
      %and3A_208 = arith.constant 1 : i32
      %and3A_209 = vector.broadcast %and3A_208 : i32 to vector<16xi32>
      %and3A_210 = arith.andi %get3A_200, %and3A_209 : vector<16xi32>
      %add3A_211 = arith.addi %mul3A_207, %and3A_210 : vector<16xi32>
      %add3A_212 = vector.broadcast %add3A_95 : i32 to vector<16xi32>
      %add3A_213 = arith.addi %get3A_200, %add3A_212 : vector<16xi32>
      %shift_right_logical3A_214 = arith.constant 1 : i32
      %shift_right_logical3A_215 = vector.broadcast %shift_right_logical3A_214 : i32 to vector<16xi32>
      %shift_right_logical3A_216 = arith.shrui %add3A_213, %shift_right_logical3A_215 : vector<16xi32>
      %gather3A_217 = tpu.vector_load_idx %arg7[%shift_right_logical3A_216] : memref<64xi32, #tpu.memory_space<vmem>>[vector<16xi32>], vector<16xi32>,
      %mul3A_218 = arith.constant 2 : i32
      %mul3A_219 = vector.broadcast %mul3A_218 : i32 to vector<16xi32>
      %mul3A_220 = arith.muli %gather3A_217, %mul3A_219 : vector<16xi32>
      %and3A_221 = arith.constant 1 : i32
      %and3A_222 = vector.broadcast %and3A_221 : i32 to vector<16xi32>
      %and3A_223 = arith.andi %add3A_213, %and3A_222 : vector<16xi32>
      %add3A_224 = arith.addi %mul3A_220, %and3A_223 : vector<16xi32>
      tpu.vector_store_idx %arg8[%add3A_198, %add3A_211], %broadcast_in_dim3A_9 : memref<72x128xf32, #tpu.memory_space<vmem>>[vector<16xi32>, vector<16xi32>], vector<16xf32>,
      tpu.vector_store_idx %arg8[%add3A_198, %add3A_224], %broadcast_in_dim3A_9 : memref<72x128xf32, #tpu.memory_space<vmem>>[vector<16xi32>, vector<16xi32>], vector<16xf32>,
      %iota3A_225 = tpu.iota {dimensions = array<i32: 0>} : vector<16xi32>
      %add3A_226 = arith.constant 48 : i32
      %add3A_227 = vector.broadcast %add3A_226 : i32 to vector<16xi32>
      %add3A_228 = arith.addi %iota3A_225, %add3A_227 : vector<16xi32>
      %get3A_229 = arith.constant 48 : index
      %get3A_230 = tpu.vector_load %arg6[%get3A_229] {strides = array<i32>} : memref<64xi32, #tpu.memory_space<vmem>>, vector<16xi32>,
      %shift_right_logical3A_231 = arith.constant 1 : i32
      %shift_right_logical3A_232 = vector.broadcast %shift_right_logical3A_231 : i32 to vector<16xi32>
      %shift_right_logical3A_233 = arith.shrui %get3A_230, %shift_right_logical3A_232 : vector<16xi32>
      %gather3A_234 = tpu.vector_load_idx %arg7[%shift_right_logical3A_233] : memref<64xi32, #tpu.memory_space<vmem>>[vector<16xi32>], vector<16xi32>,
      %mul3A_235 = arith.constant 2 : i32
      %mul3A_236 = vector.broadcast %mul3A_235 : i32 to vector<16xi32>
      %mul3A_237 = arith.muli %gather3A_234, %mul3A_236 : vector<16xi32>
      %and3A_238 = arith.constant 1 : i32
      %and3A_239 = vector.broadcast %and3A_238 : i32 to vector<16xi32>
      %and3A_240 = arith.andi %get3A_230, %and3A_239 : vector<16xi32>
      %add3A_241 = arith.addi %mul3A_237, %and3A_240 : vector<16xi32>
      %add3A_242 = vector.broadcast %add3A_95 : i32 to vector<16xi32>
      %add3A_243 = arith.addi %get3A_230, %add3A_242 : vector<16xi32>
      %shift_right_logical3A_244 = arith.constant 1 : i32
      %shift_right_logical3A_245 = vector.broadcast %shift_right_logical3A_244 : i32 to vector<16xi32>
      %shift_right_logical3A_246 = arith.shrui %add3A_243, %shift_right_logical3A_245 : vector<16xi32>
      %gather3A_247 = tpu.vector_load_idx %arg7[%shift_right_logical3A_246] : memref<64xi32, #tpu.memory_space<vmem>>[vector<16xi32>], vector<16xi32>,
      %mul3A_248 = arith.constant 2 : i32
      %mul3A_249 = vector.broadcast %mul3A_248 : i32 to vector<16xi32>
      %mul3A_250 = arith.muli %gather3A_247, %mul3A_249 : vector<16xi32>
      %and3A_251 = arith.constant 1 : i32
      %and3A_252 = vector.broadcast %and3A_251 : i32 to vector<16xi32>
      %and3A_253 = arith.andi %add3A_243, %and3A_252 : vector<16xi32>
      %add3A_254 = arith.addi %mul3A_250, %and3A_253 : vector<16xi32>
      tpu.vector_store_idx %arg8[%add3A_228, %add3A_241], %broadcast_in_dim3A_9 : memref<72x128xf32, #tpu.memory_space<vmem>>[vector<16xi32>, vector<16xi32>], vector<16xf32>,
      tpu.vector_store_idx %arg8[%add3A_228, %add3A_254], %broadcast_in_dim3A_9 : memref<72x128xf32, #tpu.memory_space<vmem>>[vector<16xi32>, vector<16xi32>], vector<16xf32>,
      %broadcast_in_dim3A_255 = arith.constant 64 : i32
      %broadcast_in_dim3A_256 = vector.broadcast %broadcast_in_dim3A_255 : i32 to vector<16xi32>
      %iota3A_257 = tpu.iota {dimensions = array<i32: 0>} : vector<16xi32>
      %add3A_258 = arith.constant 0 : i32
      %add3A_259 = vector.broadcast %add3A_258 : i32 to vector<16xi32>
      %add3A_260 = arith.addi %iota3A_257, %add3A_259 : vector<16xi32>
      %shift_right_logical3A_261 = arith.constant 1 : i32
      %shift_right_logical3A_262 = vector.broadcast %shift_right_logical3A_261 : i32 to vector<16xi32>
      %shift_right_logical3A_263 = arith.shrui %add3A_260, %shift_right_logical3A_262 : vector<16xi32>
      %gather3A_264 = tpu.vector_load_idx %arg7[%shift_right_logical3A_263] : memref<64xi32, #tpu.memory_space<vmem>>[vector<16xi32>], vector<16xi32>,
      %mul3A_265 = arith.constant 2 : i32
      %mul3A_266 = vector.broadcast %mul3A_265 : i32 to vector<16xi32>
      %mul3A_267 = arith.muli %gather3A_264, %mul3A_266 : vector<16xi32>
      %and3A_268 = arith.constant 1 : i32
      %and3A_269 = vector.broadcast %and3A_268 : i32 to vector<16xi32>
      %and3A_270 = arith.andi %add3A_260, %and3A_269 : vector<16xi32>
      %add3A_271 = arith.addi %mul3A_267, %and3A_270 : vector<16xi32>
      %mul3A_272 = arith.constant 2 : i32
      %mul3A_273 = arith.muli %mul3A_272, %add3A_95 : i32
      %lt3A = vector.broadcast %mul3A_273 : i32 to vector<16xi32>
      %lt3A_274 = arith.cmpi slt, %add3A_260, %lt3A : vector<16xi32>
      tpu.vector_store_idx %arg8[%broadcast_in_dim3A_256, %add3A_271], %broadcast_in_dim3A_9 masked %lt3A_274 {add = true} : memref<72x128xf32, #tpu.memory_space<vmem>>[vector<16xi32>, vector<16xi32>], vector<16xf32>, vector<16xi1>
      %iota3A_275 = tpu.iota {dimensions = array<i32: 0>} : vector<16xi32>
      %add3A_276 = arith.constant 16 : i32
      %add3A_277 = vector.broadcast %add3A_276 : i32 to vector<16xi32>
      %add3A_278 = arith.addi %iota3A_275, %add3A_277 : vector<16xi32>
      %shift_right_logical3A_279 = arith.constant 1 : i32
      %shift_right_logical3A_280 = vector.broadcast %shift_right_logical3A_279 : i32 to vector<16xi32>
      %shift_right_logical3A_281 = arith.shrui %add3A_278, %shift_right_logical3A_280 : vector<16xi32>
      %gather3A_282 = tpu.vector_load_idx %arg7[%shift_right_logical3A_281] : memref<64xi32, #tpu.memory_space<vmem>>[vector<16xi32>], vector<16xi32>,
      %mul3A_283 = arith.constant 2 : i32
      %mul3A_284 = vector.broadcast %mul3A_283 : i32 to vector<16xi32>
      %mul3A_285 = arith.muli %gather3A_282, %mul3A_284 : vector<16xi32>
      %and3A_286 = arith.constant 1 : i32
      %and3A_287 = vector.broadcast %and3A_286 : i32 to vector<16xi32>
      %and3A_288 = arith.andi %add3A_278, %and3A_287 : vector<16xi32>
      %add3A_289 = arith.addi %mul3A_285, %and3A_288 : vector<16xi32>
      %mul3A_290 = arith.constant 2 : i32
      %mul3A_291 = arith.muli %mul3A_290, %add3A_95 : i32
      %lt3A_292 = vector.broadcast %mul3A_291 : i32 to vector<16xi32>
      %lt3A_293 = arith.cmpi slt, %add3A_278, %lt3A_292 : vector<16xi32>
      tpu.vector_store_idx %arg8[%broadcast_in_dim3A_256, %add3A_289], %broadcast_in_dim3A_9 masked %lt3A_293 {add = true} : memref<72x128xf32, #tpu.memory_space<vmem>>[vector<16xi32>, vector<16xi32>], vector<16xf32>, vector<16xi1>
      %iota3A_294 = tpu.iota {dimensions = array<i32: 0>} : vector<16xi32>
      %add3A_295 = arith.constant 32 : i32
      %add3A_296 = vector.broadcast %add3A_295 : i32 to vector<16xi32>
      %add3A_297 = arith.addi %iota3A_294, %add3A_296 : vector<16xi32>
      %shift_right_logical3A_298 = arith.constant 1 : i32
      %shift_right_logical3A_299 = vector.broadcast %shift_right_logical3A_298 : i32 to vector<16xi32>
      %shift_right_logical3A_300 = arith.shrui %add3A_297, %shift_right_logical3A_299 : vector<16xi32>
      %gather3A_301 = tpu.vector_load_idx %arg7[%shift_right_logical3A_300] : memref<64xi32, #tpu.memory_space<vmem>>[vector<16xi32>], vector<16xi32>,
      %mul3A_302 = arith.constant 2 : i32
      %mul3A_303 = vector.broadcast %mul3A_302 : i32 to vector<16xi32>
      %mul3A_304 = arith.muli %gather3A_301, %mul3A_303 : vector<16xi32>
      %and3A_305 = arith.constant 1 : i32
      %and3A_306 = vector.broadcast %and3A_305 : i32 to vector<16xi32>
      %and3A_307 = arith.andi %add3A_297, %and3A_306 : vector<16xi32>
      %add3A_308 = arith.addi %mul3A_304, %and3A_307 : vector<16xi32>
      %mul3A_309 = arith.constant 2 : i32
      %mul3A_310 = arith.muli %mul3A_309, %add3A_95 : i32
      %lt3A_311 = vector.broadcast %mul3A_310 : i32 to vector<16xi32>
      %lt3A_312 = arith.cmpi slt, %add3A_297, %lt3A_311 : vector<16xi32>
      tpu.vector_store_idx %arg8[%broadcast_in_dim3A_256, %add3A_308], %broadcast_in_dim3A_9 masked %lt3A_312 {add = true} : memref<72x128xf32, #tpu.memory_space<vmem>>[vector<16xi32>, vector<16xi32>], vector<16xf32>, vector<16xi1>
      %iota3A_313 = tpu.iota {dimensions = array<i32: 0>} : vector<16xi32>
      %add3A_314 = arith.constant 48 : i32
      %add3A_315 = vector.broadcast %add3A_314 : i32 to vector<16xi32>
      %add3A_316 = arith.addi %iota3A_313, %add3A_315 : vector<16xi32>
      %shift_right_logical3A_317 = arith.constant 1 : i32
      %shift_right_logical3A_318 = vector.broadcast %shift_right_logical3A_317 : i32 to vector<16xi32>
      %shift_right_logical3A_319 = arith.shrui %add3A_316, %shift_right_logical3A_318 : vector<16xi32>
      %gather3A_320 = tpu.vector_load_idx %arg7[%shift_right_logical3A_319] : memref<64xi32, #tpu.memory_space<vmem>>[vector<16xi32>], vector<16xi32>,
      %mul3A_321 = arith.constant 2 : i32
      %mul3A_322 = vector.broadcast %mul3A_321 : i32 to vector<16xi32>
      %mul3A_323 = arith.muli %gather3A_320, %mul3A_322 : vector<16xi32>
      %and3A_324 = arith.constant 1 : i32
      %and3A_325 = vector.broadcast %and3A_324 : i32 to vector<16xi32>
      %and3A_326 = arith.andi %add3A_316, %and3A_325 : vector<16xi32>
      %add3A_327 = arith.addi %mul3A_323, %and3A_326 : vector<16xi32>
      %mul3A_328 = arith.constant 2 : i32
      %mul3A_329 = arith.muli %mul3A_328, %add3A_95 : i32
      %lt3A_330 = vector.broadcast %mul3A_329 : i32 to vector<16xi32>
      %lt3A_331 = arith.cmpi slt, %add3A_316, %lt3A_330 : vector<16xi32>
      tpu.vector_store_idx %arg8[%broadcast_in_dim3A_256, %add3A_327], %broadcast_in_dim3A_9 masked %lt3A_331 {add = true} : memref<72x128xf32, #tpu.memory_space<vmem>>[vector<16xi32>, vector<16xi32>], vector<16xf32>, vector<16xi1>
      %iota3A_332 = tpu.iota {dimensions = array<i32: 0>} : vector<16xi32>
      %add3A_333 = arith.constant 64 : i32
      %add3A_334 = vector.broadcast %add3A_333 : i32 to vector<16xi32>
      %add3A_335 = arith.addi %iota3A_332, %add3A_334 : vector<16xi32>
      %shift_right_logical3A_336 = arith.constant 1 : i32
      %shift_right_logical3A_337 = vector.broadcast %shift_right_logical3A_336 : i32 to vector<16xi32>
      %shift_right_logical3A_338 = arith.shrui %add3A_335, %shift_right_logical3A_337 : vector<16xi32>
      %gather3A_339 = tpu.vector_load_idx %arg7[%shift_right_logical3A_338] : memref<64xi32, #tpu.memory_space<vmem>>[vector<16xi32>], vector<16xi32>,
      %mul3A_340 = arith.constant 2 : i32
      %mul3A_341 = vector.broadcast %mul3A_340 : i32 to vector<16xi32>
      %mul3A_342 = arith.muli %gather3A_339, %mul3A_341 : vector<16xi32>
      %and3A_343 = arith.constant 1 : i32
      %and3A_344 = vector.broadcast %and3A_343 : i32 to vector<16xi32>
      %and3A_345 = arith.andi %add3A_335, %and3A_344 : vector<16xi32>
      %add3A_346 = arith.addi %mul3A_342, %and3A_345 : vector<16xi32>
      %mul3A_347 = arith.constant 2 : i32
      %mul3A_348 = arith.muli %mul3A_347, %add3A_95 : i32
      %lt3A_349 = vector.broadcast %mul3A_348 : i32 to vector<16xi32>
      %lt3A_350 = arith.cmpi slt, %add3A_335, %lt3A_349 : vector<16xi32>
      tpu.vector_store_idx %arg8[%broadcast_in_dim3A_256, %add3A_346], %broadcast_in_dim3A_9 masked %lt3A_350 {add = true} : memref<72x128xf32, #tpu.memory_space<vmem>>[vector<16xi32>, vector<16xi32>], vector<16xf32>, vector<16xi1>
      %iota3A_351 = tpu.iota {dimensions = array<i32: 0>} : vector<16xi32>
      %add3A_352 = arith.constant 80 : i32
      %add3A_353 = vector.broadcast %add3A_352 : i32 to vector<16xi32>
      %add3A_354 = arith.addi %iota3A_351, %add3A_353 : vector<16xi32>
      %shift_right_logical3A_355 = arith.constant 1 : i32
      %shift_right_logical3A_356 = vector.broadcast %shift_right_logical3A_355 : i32 to vector<16xi32>
      %shift_right_logical3A_357 = arith.shrui %add3A_354, %shift_right_logical3A_356 : vector<16xi32>
      %gather3A_358 = tpu.vector_load_idx %arg7[%shift_right_logical3A_357] : memref<64xi32, #tpu.memory_space<vmem>>[vector<16xi32>], vector<16xi32>,
      %mul3A_359 = arith.constant 2 : i32
      %mul3A_360 = vector.broadcast %mul3A_359 : i32 to vector<16xi32>
      %mul3A_361 = arith.muli %gather3A_358, %mul3A_360 : vector<16xi32>
      %and3A_362 = arith.constant 1 : i32
      %and3A_363 = vector.broadcast %and3A_362 : i32 to vector<16xi32>
      %and3A_364 = arith.andi %add3A_354, %and3A_363 : vector<16xi32>
      %add3A_365 = arith.addi %mul3A_361, %and3A_364 : vector<16xi32>
      %mul3A_366 = arith.constant 2 : i32
      %mul3A_367 = arith.muli %mul3A_366, %add3A_95 : i32
      %lt3A_368 = vector.broadcast %mul3A_367 : i32 to vector<16xi32>
      %lt3A_369 = arith.cmpi slt, %add3A_354, %lt3A_368 : vector<16xi32>
      tpu.vector_store_idx %arg8[%broadcast_in_dim3A_256, %add3A_365], %broadcast_in_dim3A_9 masked %lt3A_369 {add = true} : memref<72x128xf32, #tpu.memory_space<vmem>>[vector<16xi32>, vector<16xi32>], vector<16xf32>, vector<16xi1>
      %iota3A_370 = tpu.iota {dimensions = array<i32: 0>} : vector<16xi32>
      %add3A_371 = arith.constant 96 : i32
      %add3A_372 = vector.broadcast %add3A_371 : i32 to vector<16xi32>
      %add3A_373 = arith.addi %iota3A_370, %add3A_372 : vector<16xi32>
      %shift_right_logical3A_374 = arith.constant 1 : i32
      %shift_right_logical3A_375 = vector.broadcast %shift_right_logical3A_374 : i32 to vector<16xi32>
      %shift_right_logical3A_376 = arith.shrui %add3A_373, %shift_right_logical3A_375 : vector<16xi32>
      %gather3A_377 = tpu.vector_load_idx %arg7[%shift_right_logical3A_376] : memref<64xi32, #tpu.memory_space<vmem>>[vector<16xi32>], vector<16xi32>,
      %mul3A_378 = arith.constant 2 : i32
      %mul3A_379 = vector.broadcast %mul3A_378 : i32 to vector<16xi32>
      %mul3A_380 = arith.muli %gather3A_377, %mul3A_379 : vector<16xi32>
      %and3A_381 = arith.constant 1 : i32
      %and3A_382 = vector.broadcast %and3A_381 : i32 to vector<16xi32>
      %and3A_383 = arith.andi %add3A_373, %and3A_382 : vector<16xi32>
      %add3A_384 = arith.addi %mul3A_380, %and3A_383 : vector<16xi32>
      %mul3A_385 = arith.constant 2 : i32
      %mul3A_386 = arith.muli %mul3A_385, %add3A_95 : i32
      %lt3A_387 = vector.broadcast %mul3A_386 : i32 to vector<16xi32>
      %lt3A_388 = arith.cmpi slt, %add3A_373, %lt3A_387 : vector<16xi32>
      tpu.vector_store_idx %arg8[%broadcast_in_dim3A_256, %add3A_384], %broadcast_in_dim3A_9 masked %lt3A_388 {add = true} : memref<72x128xf32, #tpu.memory_space<vmem>>[vector<16xi32>, vector<16xi32>], vector<16xf32>, vector<16xi1>
      %iota3A_389 = tpu.iota {dimensions = array<i32: 0>} : vector<16xi32>
      %add3A_390 = arith.constant 112 : i32
      %add3A_391 = vector.broadcast %add3A_390 : i32 to vector<16xi32>
      %add3A_392 = arith.addi %iota3A_389, %add3A_391 : vector<16xi32>
      %shift_right_logical3A_393 = arith.constant 1 : i32
      %shift_right_logical3A_394 = vector.broadcast %shift_right_logical3A_393 : i32 to vector<16xi32>
      %shift_right_logical3A_395 = arith.shrui %add3A_392, %shift_right_logical3A_394 : vector<16xi32>
      %gather3A_396 = tpu.vector_load_idx %arg7[%shift_right_logical3A_395] : memref<64xi32, #tpu.memory_space<vmem>>[vector<16xi32>], vector<16xi32>,
      %mul3A_397 = arith.constant 2 : i32
      %mul3A_398 = vector.broadcast %mul3A_397 : i32 to vector<16xi32>
      %mul3A_399 = arith.muli %gather3A_396, %mul3A_398 : vector<16xi32>
      %and3A_400 = arith.constant 1 : i32
      %and3A_401 = vector.broadcast %and3A_400 : i32 to vector<16xi32>
      %and3A_402 = arith.andi %add3A_392, %and3A_401 : vector<16xi32>
      %add3A_403 = arith.addi %mul3A_399, %and3A_402 : vector<16xi32>
      %mul3A_404 = arith.constant 2 : i32
      %mul3A_405 = arith.muli %mul3A_404, %add3A_95 : i32
      %lt3A_406 = vector.broadcast %mul3A_405 : i32 to vector<16xi32>
      %lt3A_407 = arith.cmpi slt, %add3A_392, %lt3A_406 : vector<16xi32>
      tpu.vector_store_idx %arg8[%broadcast_in_dim3A_256, %add3A_403], %broadcast_in_dim3A_9 masked %lt3A_407 {add = true} : memref<72x128xf32, #tpu.memory_space<vmem>>[vector<16xi32>, vector<16xi32>], vector<16xf32>, vector<16xi1>
      "tpu.region"() ({
        %run_scoped3A = tpu.sem_alloc : memref<!tpu.dma_semaphore, #tpu.memory_space<semaphore_mem>>
        tpu.enqueue_dma source(%arg8 : memref<72x128xf32, #tpu.memory_space<vmem>>) target(%arg3 : memref<72x128xf32, #tpu.memory_space<hbm>>) target_semaphore(%run_scoped3A : memref<!tpu.dma_semaphore, #tpu.memory_space<semaphore_mem>>)
        tpu.wait_dma2 semaphore(%run_scoped3A : memref<!tpu.dma_semaphore, #tpu.memory_space<semaphore_mem>>) src(%arg8 : memref<72x128xf32, #tpu.memory_space<vmem>>) dst(%arg3 : memref<72x128xf32, #tpu.memory_space<hbm>>)
        tpu.yield
      }) : () -> ()
    } else {
    }
    return
  }
}

module attributes {stable_mosaic.version = 14 : i64} {
  func.func @_tc_dense_kernel(%arg0: memref<4096x64xf32, #tpu.memory_space<vmem>>, %arg1: memref<64x2x64xf32, #tpu.memory_space<vmem>>, %arg2: memref<4096x1xi8, #tpu.memory_space<vmem>>, %arg3: memref<64x128xf32, #tpu.memory_space<vmem>>) attributes {dimension_semantics = [], scalar_prefetch = 0 : i64, scratch_operands = 0 : i64, tpu.core_type = #tpu.core_type<tc>} {
    %get3A = arith.constant 0 : index
    %get3A_0 = arith.constant 0 : index
    %get3A_1 = vector.load %arg0[%get3A, %get3A_0] : memref<4096x64xf32, #tpu.memory_space<vmem>>, vector<4096x64xf32>
    %get3A_2 = arith.constant 0 : index
    %get3A_3 = arith.constant 0 : index
    %get3A_4 = arith.constant 0 : index
    %get3A_5 = vector.load %arg1[%get3A_2, %get3A_3, %get3A_4] : memref<64x2x64xf32, #tpu.memory_space<vmem>>, vector<64x2x64xf32>
    %reshape3A = vector.shape_cast %get3A_5 : vector<64x2x64xf32> to vector<128x64xf32>
    %get3A_6 = arith.constant 0 : index
    %get3A_7 = arith.constant 0 : index
    %get3A_8 = vector.load %arg2[%get3A_6, %get3A_7] : memref<4096x1xi8, #tpu.memory_space<vmem>>, vector<4096x1xi8>
    %convert_element_type3A = arith.extsi %get3A_8 : vector<4096x1xi8> to vector<4096x1xi32>
    %dot_general3A = arith.constant dense<0.000000e+00> : vector<4096x128xf32>
    %dot_general3A_9 = tpu.matmul %get3A_1, %reshape3A, %dot_general3A {dimension_numbers = #tpu.dot_dimension_numbers<[1], [1], [0], [0], [0, 0, 1, 0], [], []>, transpose_lhs_hint = false} : vector<4096x64xf32>, vector<128x64xf32>, vector<4096x128xf32> -> vector<4096x128xf32>
    %mul3A = arith.constant 3.33333325 : f32
    %mul3A_10 = vector.broadcast %mul3A : f32 to vector<4096x128xf32>
    %mul3A_11 = arith.mulf %dot_general3A_9, %mul3A_10 : vector<4096x128xf32>
    %exp3A = math.exp %mul3A_11 : vector<4096x128xf32>
    %iota3A = tpu.iota {dimensions = array<i32: 1>} : vector<1x64xi32>
    %eq3A = vector.broadcast %convert_element_type3A : vector<4096x1xi32> to vector<4096x64xi32>
    %eq3A_12 = vector.broadcast %iota3A : vector<1x64xi32> to vector<4096x64xi32>
    %eq3A_13 = arith.cmpi eq, %eq3A, %eq3A_12 : vector<4096x64xi32>
    %convert_element_type3A_14 = arith.extui %eq3A_13 : vector<4096x64xi1> to vector<4096x64xi32>
    %convert_element_type3A_15 = arith.sitofp %convert_element_type3A_14 : vector<4096x64xi32> to vector<4096x64xf32>
    %dot_general3A_16 = arith.constant dense<0.000000e+00> : vector<64x128xf32>
    %dot_general3A_17 = tpu.matmul %convert_element_type3A_15, %exp3A, %dot_general3A_16 {dimension_numbers = #tpu.dot_dimension_numbers<[0], [0], [1], [1], [0, 1, 1, 1], [], []>, transpose_lhs_hint = false} : vector<4096x64xf32>, vector<4096x128xf32>, vector<64x128xf32> -> vector<64x128xf32>
    %swap3A = arith.constant 0 : index
    %swap3A_18 = arith.constant 0 : index
    %swap3A_19 = vector.load %arg3[%swap3A, %swap3A_18] : memref<64x128xf32, #tpu.memory_space<vmem>>, vector<64x128xf32>
    tpu.vector_store %arg3[%swap3A, %swap3A_18], %dot_general3A_17 {strides = array<i32>} : memref<64x128xf32, #tpu.memory_space<vmem>>, vector<64x128xf32>,
    return
  }
}

module attributes {stable_mosaic.version = 14 : i64} {
  func.func @_tc_combine_kernel(%arg0: memref<64x128xf32, #tpu.memory_space<vmem>>, %arg1: memref<72x128xf32, #tpu.memory_space<vmem>>, %arg2: memref<1x1xf32, #tpu.memory_space<vmem>>) attributes {dimension_semantics = [], scalar_prefetch = 0 : i64, scratch_operands = 0 : i64, tpu.core_type = #tpu.core_type<tc>} {
    %get3A = arith.constant 0 : index
    %get3A_0 = arith.constant 0 : index
    %get3A_1 = vector.load %arg0[%get3A, %get3A_0] : memref<64x128xf32, #tpu.memory_space<vmem>>, vector<64x128xf32>
    %get3A_2 = arith.constant 0 : index
    %get3A_3 = arith.constant 0 : index
    %get3A_4 = vector.load %arg1[%get3A_2, %get3A_3] : memref<72x128xf32, #tpu.memory_space<vmem>>, vector<72x128xf32>
    %slice3A = vector.extract_strided_slice %get3A_4 {offsets = [0, 0], sizes = [64, 128], strides = [1, 1]} : vector<72x128xf32> to vector<64x128xf32>
    %slice3A_5 = vector.extract_strided_slice %get3A_4 {offsets = [64, 0], sizes = [1, 128], strides = [1, 1]} : vector<72x128xf32> to vector<1x128xf32>
    %mul3A = arith.mulf %get3A_1, %slice3A : vector<64x128xf32>
    %reduce_sum3A = vector.shape_cast %mul3A : vector<64x128xf32> to vector<1x64x128xf32>
    %reduce_sum3A_6 = arith.constant dense<0.000000e+00> : vector<1xf32>
    %reduce_sum3A_7 = vector.multi_reduction <add>, %reduce_sum3A, %reduce_sum3A_6 [1, 2] : vector<1x64x128xf32> to vector<1xf32>
    %reduce_sum3A_8 = vector.shape_cast %reduce_sum3A_7 : vector<1xf32> to vector<1x1x1xf32>
    %reduce_sum3A_9 = vector.extract %reduce_sum3A_8[0, 0, 0] : f32 from vector<1x1x1xf32>
    %broadcast_in_dim3A = vector.broadcast %reduce_sum3A_9 : f32 to vector<1x1xf32>
    %reduce_sum3A_10 = arith.constant dense<0.000000e+00> : vector<128xf32>
    %reduce_sum3A_11 = vector.multi_reduction <add>, %get3A_1, %reduce_sum3A_10 [0] : vector<64x128xf32> to vector<128xf32>
    %broadcast_in_dim3A_12 = vector.shape_cast %reduce_sum3A_11 : vector<128xf32> to vector<1x128xf32>
    %mul3A_13 = arith.mulf %broadcast_in_dim3A_12, %slice3A_5 : vector<1x128xf32>
    %reduce_sum3A_14 = vector.shape_cast %mul3A_13 : vector<1x128xf32> to vector<1x1x128xf32>
    %reduce_sum3A_15 = arith.constant dense<0.000000e+00> : vector<1xf32>
    %reduce_sum3A_16 = vector.multi_reduction <add>, %reduce_sum3A_14, %reduce_sum3A_15 [1, 2] : vector<1x1x128xf32> to vector<1xf32>
    %reduce_sum3A_17 = vector.shape_cast %reduce_sum3A_16 : vector<1xf32> to vector<1x1x1xf32>
    %reduce_sum3A_18 = vector.extract %reduce_sum3A_17[0, 0, 0] : f32 from vector<1x1x1xf32>
    %broadcast_in_dim3A_19 = vector.broadcast %reduce_sum3A_18 : f32 to vector<1x1xf32>
    %sub3A = arith.subf %broadcast_in_dim3A_19, %broadcast_in_dim3A : vector<1x1xf32>
    %add3A = arith.constant 9.99999971E-10 : f32
    %add3A_20 = vector.broadcast %add3A : f32 to vector<1x1xf32>
    %add3A_21 = arith.addf %sub3A, %add3A_20 : vector<1x1xf32>
    %div3A = arith.divf %broadcast_in_dim3A, %add3A_21 : vector<1x1xf32>
    %add3A_22 = arith.constant 1.000000e-10 : f32
    %add3A_23 = vector.broadcast %add3A_22 : f32 to vector<1x1xf32>
    %add3A_24 = arith.addf %div3A, %add3A_23 : vector<1x1xf32>
    %log3A = math.log %add3A_24 : vector<1x1xf32>
    %neg3A = arith.constant 0.000000e+00 : f32
    %neg3A_25 = vector.broadcast %neg3A : f32 to vector<1x1xf32>
    %neg3A_26 = arith.subf %neg3A_25, %log3A : vector<1x1xf32>
    %swap3A = arith.constant 0 : index
    %swap3A_27 = arith.constant 0 : index
    %swap3A_28 = vector.load %arg2[%swap3A, %swap3A_27] : memref<1x1xf32, #tpu.memory_space<vmem>>, vector<1x1xf32>
    tpu.vector_store %arg2[%swap3A, %swap3A_27], %neg3A_26 {strides = array<i32>} : memref<1x1xf32, #tpu.memory_space<vmem>>, vector<1x1xf32>,
    return
  }
}

</mosaic_0001>

<sc_bundles>
// kernel: kernel.5.cloned.1.call-start
scs
__scs_entry_jumppad:
0x0: {  	(pc) =	sbr.rel $0x88, $3  }
0x1: {  	(tag) =	ssettag $0x0;
	lr =	simm.s32 $0x1  }
0x2: {  	[smem:$0x3F9E] =	sst lr;
	_ =	strace $0xD0000000  }
0x3: {  	_ = 	snop  }
0x4: {  	_ = 	snop  }
0x5: {  	_ = 	snop  }
0x6: {  	_ = 	snop  }
0x7: {  	_ = 	snop  }
__scs_overlays_trampoline_lowered:
0x8: {  	[smem:$0x3FAD] =	sst s0  }
0x9: {  	[smem:$0x3FAE] =	sst s1  }
0xa: {  	[smem:$0x3FAF] =	sst s2  }
0xb: {  	[smem:$0x3FB0] =	sst s3  }
0xc: {  	[smem:$0x3FB1] =	sst s4  }
0xd: {  	[smem:$0x3FB2] =	sst s5  }
0xe: {  	[smem:$0x3FB3] =	sst s6  }
0xf: {  	[smem:$0x3FB4] =	sst s7  }
0x10: {  	[smem:$0x3FB5] =	sst s8  }
0x11: {  	[smem:$0x3FB6] =	sst s9;
	s0 =	simm.s32 @!p0 $0x0  }
0x12: {  	s1 =	sld [smem:$0x3F9C];
	s0 =	simm.s32 @p0 $0x1  }
0x13: {  	[smem:$0x3FB7] =	sst s0;
	s0 =	simm.s32 @!p1 $0x0  }
0x14: {  	s2 =	sld [smem:$0x3F9B];
	s0 =	simm.s32 @p1 $0x1  }
0x15: {  	[smem:$0x3FB8] =	sst s0;
	s0 =	simm.s32 @!p2 $0x0  }
0x16: {  	s3 =	sld [smem:$0x3FDB];
	s0 =	simm.s32 @p2 $0x1  }
0x17: {  	s4 =	simm.s32 $0x1BF5;
	[smem:$0x3FBA] =	sst s0  }
0x18: {  	s0 =	sld [smem:$0x3F9D];
	_ =	swait.ge [sflag:s4], $0x0  }
0x19: {  	s7 =	sld [smem:$0x3F9E]  }
0x1a: {  	s8 =	sadd.s32 $0xFFFFE003, lr  }
0x1b: {  	s9 =	sadd.s32 $0xFFFFFEF7, lr;
	s5 =	simm.s32 $0xFFFFFFFF;
	p2 =	slt.u32 s8, $0xFFFFF086  }
0x1c: {  	p1 =	slt.u32 s9, $0xF7A;
	s5 =	simm.s32 @!p2 $0x0  }
0x1d: {  	s5 =	simm.s32 @p1 $0x1;
	p0 =	seq.s32 s7, s2  }
0x1e: {  	s7 =	smul.u32 @!p0 $0xF7A, s2;
	p2 =	seq.s32 @!p0 s5, $0x0  }
0x1f: {  	s9 =	smul.u32 $0xF7A, s1;
	s8 =	simm.s32 @!p0 $0x1BF5;
	p2 =	por !p2, p0  }
0x20: {  	[sflag:s8] =	ssyncset.s32 @!p0 $0xFFFFF086;
	s6 =	sadd.s32 @!p0 s3, s7;
	s7 =	simm.s32 @!p0 $0x108  }
0x21: {  	s3 =	sadd.s32 s3, s9;
	s6 =	sadd.s32 @!p0 $0x88, s6;
	s7 =	simm.s32 @p2 $0x1082  }
0x22: {  	[simem:s7], [sflag:s8] =	dma.local @!p0 [hbm:s6], $0xF7A  }
0x23: {  	s9 =	sor.u32 $0xD0000000, s2;
	s6 =	simm.s32 $0x108;
	_ =	swait.ge @!p0 [sflag:s8], $0x0  }
0x24: {  	s3 =	sadd.s32 $0x88, s3;
	s6 =	simm.s32 @!p1 $0x1082;
	[sflag:s4] =	ssyncset.s32 $0xFFFFF086  }
0x25: {  	[simem:s6], [sflag:s4] =	dma.local [hbm:s3], $0xF7A  }
0x26: {  	[smem:$0x3F9E] =	sst s1;
	(tag) =	ssettag s2;
	_ =	strace s9  }
0x27: {  	s1 =	sld [smem:$0x3FAE]  }
0x28: {  	s2 =	sld [smem:$0x3FAF]  }
0x29: {  	s4 =	sld [smem:$0x3FB1]  }
0x2a: {  	p0 =	seq.s32 s5, $0x0;
	s5 =	sld [smem:$0x3FB2]  }
0x2b: {  	s6 =	sld [smem:$0x3FB3]  }
0x2c: {  	s7 =	sld [smem:$0x3FB4]  }
0x2d: {  	s3 =	simm.s32 $0x108;
	s8 =	sld [smem:$0x3FB5]  }
0x2e: {  	s3 =	simm.s32 @!p0 $0x1082;
	s9 =	sld [smem:$0x3FB6]  }
0x2f: {  	lr =	sadd.s32 s0, s3;
	s0 =	sld [smem:$0x3FAD]  }
0x30: {  	s3 =	sld [smem:$0x3FB0]  }
0x31: {  	[smem:$0x3FB9] =	sst s10  }
0x32: {  	s10 =	sld [smem:$0x3FB7];
	_ =	sdelay $0x3  }
0x33: {  	p0 =	seq.s32 s10, $0x1;
	s10 =	sld [smem:$0x3FB9];
	_ =	sdelay $0x3  }
0x34: {  	[smem:$0x3FB9] =	sst s10  }
0x35: {  	s10 =	sld [smem:$0x3FB8];
	_ =	sdelay $0x3  }
0x36: {  	p1 =	seq.s32 s10, $0x1;
	s10 =	sld [smem:$0x3FB9];
	_ =	sdelay $0x3  }
0x37: {  	[smem:$0x3FB9] =	sst s10  }
0x38: {  	s10 =	sld [smem:$0x3FBA]  }
0x39: {  	_ = 	snop;
	(pc) =	sbr.ind lr, $3  }
0x3a: {  	_ = 	snop  }
0x3b: {  	_ = 	snop  }
0x3c: {  	p2 =	seq.s32 s10, $0x1;
	s10 =	sld [smem:$0x3FB9]  }
0x3d: {  	_ =	shalt  }
0x3e: {  	_ =	shalt  }
0x3f: {  	_ =	shalt  }
0x40: {  	_ =	shalt  }
0x41: {  	_ =	shalt  }
0x42: {  	_ =	shalt  }
0x43: {  	_ =	shalt  }
0x44: {  	_ =	shalt  }
0x45: {  	_ =	shalt  }
0x46: {  	_ =	shalt  }
0x47: {  	_ =	shalt  }
0x48: {  	_ =	shalt  }
0x49: {  	_ =	shalt  }
0x4a: {  	_ =	shalt  }
0x4b: {  	_ =	shalt  }
0x4c: {  	_ =	shalt  }
0x4d: {  	_ =	shalt  }
0x4e: {  	_ =	shalt  }
0x4f: {  	_ =	shalt  }
0x50: {  	_ =	shalt  }
0x51: {  	_ =	shalt  }
0x52: {  	_ =	shalt  }
0x53: {  	_ =	shalt  }
0x54: {  	_ =	shalt  }
0x55: {  	_ =	shalt  }
0x56: {  	_ =	shalt  }
0x57: {  	_ =	shalt  }
0x58: {  	_ =	shalt  }
0x59: {  	_ =	shalt  }
0x5a: {  	_ =	shalt  }
0x5b: {  	_ =	shalt  }
0x5c: {  	_ =	shalt  }
0x5d: {  	_ =	shalt  }
0x5e: {  	_ =	shalt  }
0x5f: {  	_ =	shalt  }
0x60: {  	_ =	shalt  }
0x61: {  	_ =	shalt  }
0x62: {  	_ =	shalt  }
0x63: {  	_ =	shalt  }
0x64: {  	_ =	shalt  }
0x65: {  	_ =	shalt  }
0x66: {  	_ =	shalt  }
0x67: {  	_ =	shalt  }
0x68: {  	_ =	shalt  }
0x69: {  	_ =	shalt  }
0x6a: {  	_ =	shalt  }
0x6b: {  	_ =	shalt  }
0x6c: {  	_ =	shalt  }
0x6d: {  	_ =	shalt  }
0x6e: {  	_ =	shalt  }
0x6f: {  	_ =	shalt  }
0x70: {  	_ =	shalt  }
0x71: {  	_ =	shalt  }
0x72: {  	_ =	shalt  }
0x73: {  	_ =	shalt  }
0x74: {  	_ =	shalt  }
0x75: {  	_ =	shalt  }
0x76: {  	_ =	shalt  }
0x77: {  	_ =	shalt  }
0x78: {  	_ =	shalt  }
0x79: {  	_ =	shalt  }
0x7a: {  	_ =	shalt  }
0x7b: {  	_ =	shalt  }
0x7c: {  	_ =	shalt  }
0x7d: {  	_ =	shalt  }
0x7e: {  	_ =	shalt  }
0x7f: {  	_ =	shalt  }
0x80: {  	_ =	shalt  }
0x81: {  	_ =	shalt  }
0x82: {  	_ =	shalt  }
0x83: {  	_ =	shalt  }
0x84: {  	_ =	shalt  }
0x85: {  	_ =	shalt  }
0x86: {  	_ =	shalt  }
0x87: {  	_ =	shalt  }
.Lfunc_end0:
.L_simem_size_0:
called_computation_lowered:
.L_overlay_start_0:
0x88: {  	s2 =	sld [smem:$0x3FD9]  }
0x89: {  	s3 =	sld [smem:$0x3FFE];
	_ =	sdelay $0x1  }
0x8a: {  	s1 =	srdreg.scid  }
0x8b: {  	s0 =	sand.u32 $0x1, s1  }
0x8c: {  	s17 =	sshll.u32 s0, $0xA;
	s2 =	sadd.s32 s3, s2  }
0x8d: {  	s2 =	sadd.s32 s2, s17  }
0x8e: {  	[smem:$0x3FC5] =	sst s2  }
0x8f: {  	_ = 	snop  }
0x90: {  	s2 =	sld [smem:$0x3FC8];
	(tm) =	ssettm $0x1  }
0x91: {  	s18 =	sld [smem:$0x3FFB];
	_ =	sdelay $0x3  }
0x92: {  	_ =	strace s18  }
0x93: {  	s3 =	sld [smem:$0x3FFC];
	_ =	sdelay $0x3  }
0x94: {  	_ =	strace s3  }
0x95: {  	s3 =	sld [smem:$0x3FFD];
	_ =	sdelay $0x3  }
0x96: {  	_ =	strace s3  }
0x97: {  	_ =	strace $0x8FFFFFFF  }
0x98: {  	s19 =	sld [smem:$0x3FDB];
	_ =	sdelay $0x1  }
0x99: {  	s4 =	simm.s32 $_scs_section_size  }
0x9a: {  	s5 =	simm.s32 $_size__tile_overlayer_lowered;
	s6 =	simm.s32 $_tile_overlayer_lowered  }
0x9b: {  	s22 =	simm.s32 $0x1BFF;
	s21 =	sshll.u32 s6, $0x1;
	s3 =	sadd.s32 s4, s19  }
0x9c: {  	s7 =	simm.s32 $0x0;
	s20 =	sshll.u32 s5, $0x1;
	s5 =	sadd.s32 s21, s3  }
0x9d: {  	[timem:s7], [sflag:s22] =	dma.local [hbm:s5], s20  }
0x9e: {  	_ =	swait.ge [sflag:s22], s20  }
0x9f: {  	s4 =	ssub.s32 $0x0, s20;
	[sflag:s22] =	ssyncset.done $0x0  }
0xa0: {  	[sflag:s22] =	ssyncadd.s32 s4;
	_ =	sdelay $0x1  }
0xa1: {  	s23 =	simm.s32 $0x1B8B  }
0xa2: {  	_ =	swait.ge [sflag:s23], $0x1  }
0xa3: {  	[sflag:s23] =	ssyncset.done $0x0  }
0xa4: {  	s25 =	simm.s32 $0x1B8E;
	s24 =	sld [smem:$0x3FFE];
	[sflag:s23] =	ssyncadd.s32 $0xFFFFFFFF  }
0xa5: {  	s26 =	simm.s32 $execute0_lowered;
	[smem:$0x3FD2] =	sst s25  }
0xa6: {  	s5 =	sshll.u32 s26, $0x1;
	_ =	strace $0x80000046;
	[dreg:$0x1] =	wrdreg $0xFFFFFFFF  }
0xa7: {  	s28 =	simm.s32 $_size_execute0_lowered;
	s3 =	sadd.s32 s3, s5;
	[dreg:$0x0] =	wrdreg $0x0  }
0xa8: {  	s5 =	sshll.u32 s28, $0x1;
	[dreg:$0x2] =	wrdreg s3  }
0xa9: {  	[dreg:$0x3] =	wrdreg s5  }
0xaa: {  	[dreg:$0x4] =	wrdreg $0xC0  }
0xab: {  	_ =	task [dreg:s7], $0x5FFFF  }
0xac: {  	[dreg:$0x1] =	wrdreg $0xFFFFFFFF  }
0xad: {  	[dreg:$0x0] =	wrdreg $0x60  }
0xae: {  	[dreg:$0x2] =	wrdreg s2  }
0xaf: {  	[dreg:$0x3] =	wrdreg s24  }
0xb0: {  	[dreg:$0x4] =	wrdreg $0x9  }
0xb1: {  	_ =	task.clear_ibuf [dreg:s7], $0x5FFFF;
	_ =	strace $0x90000046  }
0xb2: {  	s29 =	simm.s32 $0x9;
	_ =	strace $0x80000048  }
0xb3: {  	_ =	swait.ge [sflag:s29], $0x1  }
0xb4: {  	[sflag:s29] =	ssyncadd.s32 $0xFFFFFFFF  }
0xb5: {  	_ =	strace $0x90000048  }
0xb6: {  	_ =	sfence  }
0xb7: {  	s30 =	sld [smem:$0x0];
	_ =	sdelay $0x2  }
0xb8: {  	s31 =	sshll.u32 s1, $0xD;
	s1 =	sshrl.u32 s1, $0x2  }
0xb9: {  	s3 =	sand.u32 $0x4000, s31;
	s1 =	sadd.s32 s1, s30  }
0xba: {  	s0 =	sor.u32 s3, s0;
	s1 =	sshll.u32 s1, $0x11  }
0xbb: {  	s0 =	sor.u32 s1, s0  }
0xbc: {  	s0 =	sadd.s32 $0x8F2B, s0  }
0xbd: {  	[sflag:s0] =	ssyncadd.remote.s32 $0x1  }
0xbe: {  	_ =	sfence.sel $0xFFFF  }
0xbf: {  	[dreg:$0x0] =	wrdreg $0xFFFFFFFF;
	(pc) =	sbr.abs _section_cstart, $3  }
0xc0: {  	[dreg:$0x1] =	wrdreg $0xFFFFFFFF  }
0xc1: {  	_ =	task.clear_ibuf [dreg:s7], $0x2FFFF;
	_ =	strace $0x9FFFFFFF  }
0xc2: {  	(tm) =	ssettm $0x7FFFFFFF  }
0xc3: {  	_ =	shalt  }
tec
execute0_lowered:
.L_overlay_start_1:
0x0: {  	(tag) =	ssettag $0x1  }
0x1: {  	s0 =	srdreg.scid  }
0x2: {  	s4 =	sand.u32 $0x1, s0;
	s0 =	stileid.u32  }
0x3: {  	s5 =	sshll.u32 s0, $0x1;
	s6 =	ssub.s32 $0x0, s4  }
0x4: {  	p0 =	sne.s32 s5, s6  }
.Ltmp0:
0x5: {  	_ = 	snop;
	(pc) =	sbr.rel @p0 .LBB2_7-.Ltmp0, $4  }
0x6: {  	_ = 	snop  }
0x7: {  	s2 =	rddreg [dreg:$0x0]  }
0x8: {  	s3 =	rddreg [dreg:$0x1]  }
0x9: {  	s1 =	rddreg [dreg:$0x2];
	_ =	strace $0x80000047  }
0xa: {  	v0 =	vimm.f32 $0.0e+00;
	v1 =	vlaneseq.u32  }
0xb: {  	v2 =	vimm.s32 $0x0;
	v3 =	vimm.s32 $0x1;
	v8 =	vimm.f32 $1.000000000e+00  }
0xc: {  	v4 =	vmul.u32 $0x80, v1;
	v5 =	vor.u32 $0x10, v1;
	v6 =	vor.u32 $0x20, v1  }
0xd: {  	v7 =	vor.u32 $0x30, v1;
	v12 =	vshrl.u32 v1, $0x1;
	v13 =	vand.u32 $0x1, v1  }
0xe: {  	v18 =	vor.u32 $0x40, v1;
	v20 =	vor.u32 $0x50, v1;
	v22 =	vor.u32 $0x60, v1  }
0xf: {  	s4 =	ssub.s32 $0x2, s4;
	s3 =	sadd.s32 $0x800, s3;
	v24 =	vor.u32 $0x70, v1;
	v13 =	vor.u32 $0x2000, v13;
	v14 =	vor.u32 $0x8, v12  }
0x10: {  	s6 =	simm.s32 $0x1;
	s7 =	simm.s32 $0x1000;
	s5 =	sshrl.u32 s4, $0x1;
	v15 =	vor.u32 $0x10, v12;
	v16 =	vor.u32 $0x18, v12;
	v17 =	vor.u32 $0x20, v12  }
0x11: {  	s8 =	simm.s32 $0x1100;
	s9 =	simm.s32 $0x1180;
	s4 =	ssub.s32 s4, s5;
	v19 =	vor.u32 $0x28, v12;
	v21 =	vor.u32 $0x30, v12;
	v23 =	vor.u32 $0x38, v12  }
0x12: {  	s10 =	simm.s32 $0x0;
	s5 =	simm.s32 $0x0;
	v9 =	vor.u32 $0x800, v4;
	v10 =	vor.u32 $0x1000, v4;
	v11 =	vor.u32 $0x1800, v4;
	s4 =	smax.u32 s4, $0x1  }
.LBB2_2:
0x13: {  	[tilespmem:s5], [sflag:$0x1] =	stream.linear.gather [hbm4b:s2+s5], $0x1000, $0x38;
	[tilespmem:$0x3580] =	vst v63  }
0x14: {  	_ =	swait.ge [sflag:s6], $0x1000  }
0x15: {  	[sflag:s6] =	ssyncset.done $0x0  }
0x16: {  	s11 =	simm.s32 $0x0;
	s12 =	simm.s32 $0x200;
	[sflag:s6] =	ssyncadd.s32 $0xFFFFF000  }
.LBB2_3:
0x17: {  	p0 =	sne.s32 s12, $0x8000;
	[tilespmem:s11+$0x11F0] =	vst v0  }
0x18: {  	[tilespmem:s11+$0x1180] =	vst v0  }
0x19: {  	[tilespmem:s11+$0x1190] =	vst v0  }
.Ltmp1:
0x1a: {  	[tilespmem:s11+$0x11A0] =	vst v0;
	(pc) =	sbr.rel @p0 .LBB2_3-.Ltmp1, $4  }
0x1b: {  	[tilespmem:s11+$0x11B0] =	vst v0  }
0x1c: {  	[tilespmem:s11+$0x11C0] =	vst v0  }
0x1d: {  	[tilespmem:s11+$0x11D0] =	vst v0  }
0x1e: {  	[tilespmem:s11+$0x11E0] =	vst v0;
	s11 =	sshra.s32 s12, $0x2;
	s12 =	sadd.s32 $0x200, s12  }
0x1f: {  	[tilespmem:s11+$0x11F0] =	vst v0  }
0x20: {  	[tilespmem:s11+$0x1180] =	vst v0  }
0x21: {  	[tilespmem:s11+$0x1190] =	vst v0  }
0x22: {  	[tilespmem:s11+$0x11A0] =	vst v0  }
0x23: {  	[tilespmem:s11+$0x11B0] =	vst v0  }
0x24: {  	[tilespmem:s11+$0x11C0] =	vst v0  }
0x25: {  	[tilespmem:s11+$0x11D0] =	vst v0  }
0x26: {  	[tilespmem:s11+$0x11E0] =	vst v0  }
0x27: {  	[tilespmem:$0x1000] =	vst v2  }
0x28: {  	[tilespmem:$0x1100] =	vst v2  }
0x29: {  	[tilespmem:$0x1010] =	vst v2  }
0x2a: {  	[tilespmem:$0x1110] =	vst v2  }
0x2b: {  	[tilespmem:$0x1020] =	vst v2  }
0x2c: {  	[tilespmem:$0x1120] =	vst v2  }
0x2d: {  	[tilespmem:$0x1030] =	vst v2  }
0x2e: {  	s11 =	simm.s32 $0xFFFFFFFC;
	s12 =	simm.s32 $0x20;
	[tilespmem:$0x1130] =	vst v2  }
.LBB2_5:
0x2f: {  	v25 =	vld [tilespmem:s12+$0xFFFFFFE0];
	_ =	sdelay $0x7  }
0x30: {  	[tilespmem:v25+s7+$0x0] =	vst.idx.msk $0xffff, v3  }
0x31: {  	v25 =	vld [tilespmem:s12+$0xFFFFFFF0];
	_ =	sdelay $0x7  }
0x32: {  	[tilespmem:v25+s7+$0x0] =	vst.idx.msk $0xffff, v3  }
0x33: {  	v25 =	vld [tilespmem:s12+$0x0];
	_ =	sdelay $0x7  }
0x34: {  	[tilespmem:v25+s7+$0x0] =	vst.idx.msk $0xffff, v3  }
0x35: {  	v25 =	vld [tilespmem:s12+$0x10];
	_ =	sdelay $0x1  }
0x36: {  	s11 =	sadd.s32 $0x4, s11  }
0x37: {  	p0 =	slt.u32 s11, $0xFC  }
.Ltmp2:
0x38: {  	_ = 	snop;
	(pc) =	sbr.rel @p0 .LBB2_5-.Ltmp2, $2  }
0x39: {  	_ =	sdelay $0x2  }
0x3a: {  	s12 =	sadd.s32 $0x40, s12;
	[tilespmem:v25+s7+$0x0] =	vst.idx.msk $0xffff, v3  }
0x3b: {  	v25 =	vld [tilespmem:$0x1000]  }
0x3c: {  	v26 =	vld [tilespmem:$0x1010]  }
0x3d: {  	v27 =	vld [tilespmem:$0x1020];
	_ =	sdelay $0x2  }
0x3e: {  	(xrf0) =	vadd.scan.msk.s32 $0xffff, v25  }
0x3f: {  	(xrf0) =	vadd.scan.msk.s32 $0xffff, v26  }
0x40: {  	(xrf0) =	vadd.scan.msk.s32 $0xffff, v27;
	_ =	sdelay $0x3  }
0x41: {  	v28, _, _ =	vpop (xrf0)  }
0x42: {  	v29, _, _ =	vpop (xrf0);
	(v2sf) =	vpush v28, $0xF  }
0x43: {  	(v2sf) =	vpush v29, $0xF;
	v30, _, _ =	vpop (xrf0)  }
0x44: {  	(v2sf) =	vpush v30, $0xF;
	_ =	sdelay $0x3  }
0x45: {  	v31 =	vld [tilespmem:$0x1030];
	_ =	sdelay $0x3  }
0x46: {  	v32 =	vld [tilespmem:$0x1000]  }
0x47: {  	(xrf0) =	vadd.scan.msk.s32 $0xffff, v31;
	_ =	sdelay $0x1  }
0x48: {  	v33 =	vbroadcast v28, $0xF;
	_ =	sdelay $0x1  }
0x49: {  	vm0 =	vne.s32 v32, $0x0;
	v26 =	vsub.s32 v33, v26;
	s11 =	spop (v2sf)  }
0x4a: {  	v25 =	vsub.s32 v28, v25;
	v26 =	vadd.s32 v29, v26;
	s12 =	spop (v2sf)  }
0x4b: {  	[tilespmem:$0x1090] =	vst v26;
	v26 =	vsub.s32 v30, v27;
	v27, _, _ =	vpop (xrf0);
	s11 =	sadd.s32 s11, s12;
	s30 =	spop (v2sf)  }
0x4c: {  	[tilespmem:$0x1080] =	vst v25;
	v51 =	vsub.s32 v27, v31;
	v26 =	vadd.s32 s11, v26;
	s11 =	sadd.s32 s11, s30  }
0x4d: {  	[tilespmem:$0x10A0] =	vst v26;
	v26 =	vadd.s32 s11, v51  }
0x4e: {  	[tilespmem:$0x10B0] =	vst v26  }
0x4f: {  	[tilespmem:v25+s8+$0x0] =	vst.idx.msk vm0, v1  }
0x50: {  	v25 =	vld [tilespmem:$0x1010];
	_ =	sdelay $0x2  }
0x51: {  	v26 =	vld [tilespmem:$0x1090];
	_ =	sdelay $0x1  }
0x52: {  	vm5 =	vne.s32 v25, $0x0;
	_ =	sdelay $0x5  }
0x53: {  	[tilespmem:v26+s8+$0x0] =	vst.idx.msk vm5, v5  }
0x54: {  	v25 =	vld [tilespmem:$0x1020];
	_ =	sdelay $0x2  }
0x55: {  	v26 =	vld [tilespmem:$0x10A0];
	_ =	sdelay $0x1  }
0x56: {  	vm6 =	vne.s32 v25, $0x0;
	_ =	sdelay $0x5  }
0x57: {  	[tilespmem:v26+s8+$0x0] =	vst.idx.msk vm6, v6  }
0x58: {  	(v2sf) =	vpush v27, $0xF;
	v25 =	vld [tilespmem:$0x1030];
	_ =	sdelay $0x2  }
0x59: {  	v26 =	vld [tilespmem:$0x10B0];
	_ =	sdelay $0x1  }
0x5a: {  	vm7 =	vne.s32 v25, $0x0;
	_ =	sdelay $0x5  }
0x5b: {  	[tilespmem:v26+s8+$0x0] =	vst.idx.msk vm7, v7  }
0x5c: {  	v25 =	vld [tilespmem:$0x1080];
	_ =	sdelay $0x2  }
0x5d: {  	s31 =	spop (v2sf)  }
0x5e: {  	s11 =	sadd.s32 s11, s31  }
0x5f: {  	v26 =	vshrl.u32 v25, $0x1;
	v27 =	vadd.s32 s11, v25  }
0x60: {  	v52 =	vshrl.u32 v27, $0x1;
	_ =	sdelay $0x3  }
0x61: {  	v26 =	vld.idx.msk [tilespmem:v26+s8+$0x0], $0xffff  }
0x62: {  	v28 =	vld.idx.msk [tilespmem:v52+s8+$0x0], $0xffff;
	_ =	sdelay $0x3  }
0x63: {  	v25 =	vand.u32 $0x1, v25;
	v26 =	vshll.u32 v26, $0x1  }
0x64: {  	v27 =	vand.u32 $0x1, v27;
	v28 =	vshll.u32 v28, $0x1;
	v53 =	vand.u32 $0x7E, v26  }
0x65: {  	v26 =	vand.u32 $0xFFFFFF80, v26;
	v25 =	vor.u32 v53, v25;
	v54 =	vand.u32 $0x7E, v28  }
0x66: {  	v25 =	vor.u32 v25, v26;
	v26 =	vand.u32 $0xFFFFFF80, v28;
	v27 =	vor.u32 v54, v27  }
0x67: {  	v25 =	vadd.s32 v4, v25;
	v26 =	vor.u32 v27, v26  }
0x68: {  	v26 =	vadd.s32 v4, v26;
	_ =	sdelay $0x3  }
0x69: {  	[tilespmem:v25+s9+$0x0] =	vst.idx.msk $0xffff, v8  }
0x6a: {  	[tilespmem:v26+s9+$0x0] =	vst.idx.msk $0xffff, v8  }
0x6b: {  	v25 =	vld [tilespmem:$0x1090];
	_ =	sdelay $0x4  }
0x6c: {  	v26 =	vshrl.u32 v25, $0x1;
	v27 =	vadd.s32 s11, v25  }
0x6d: {  	v55 =	vshrl.u32 v27, $0x1;
	_ =	sdelay $0x3  }
0x6e: {  	v26 =	vld.idx.msk [tilespmem:v26+s8+$0x0], $0xffff  }
0x6f: {  	v28 =	vld.idx.msk [tilespmem:v55+s8+$0x0], $0xffff;
	_ =	sdelay $0x3  }
0x70: {  	v25 =	vand.u32 $0x1, v25;
	v26 =	vshll.u32 v26, $0x1  }
0x71: {  	v27 =	vand.u32 $0x1, v27;
	v28 =	vshll.u32 v28, $0x1;
	v56 =	vand.u32 $0x7E, v26  }
0x72: {  	v26 =	vand.u32 $0xFFFFFF80, v26;
	v25 =	vor.u32 v56, v25;
	v57 =	vand.u32 $0x7E, v28  }
0x73: {  	v25 =	vor.u32 v25, v26;
	v26 =	vand.u32 $0xFFFFFF80, v28;
	v27 =	vor.u32 v57, v27  }
0x74: {  	v25 =	vadd.s32 v9, v25;
	v26 =	vor.u32 v27, v26  }
0x75: {  	v26 =	vadd.s32 v9, v26;
	_ =	sdelay $0x3  }
0x76: {  	[tilespmem:v25+s9+$0x0] =	vst.idx.msk $0xffff, v8  }
0x77: {  	[tilespmem:v26+s9+$0x0] =	vst.idx.msk $0xffff, v8  }
0x78: {  	v25 =	vld [tilespmem:$0x10A0];
	_ =	sdelay $0x4  }
0x79: {  	v26 =	vshrl.u32 v25, $0x1;
	v27 =	vadd.s32 s11, v25  }
0x7a: {  	v58 =	vshrl.u32 v27, $0x1;
	_ =	sdelay $0x3  }
0x7b: {  	v26 =	vld.idx.msk [tilespmem:v26+s8+$0x0], $0xffff  }
0x7c: {  	v28 =	vld.idx.msk [tilespmem:v58+s8+$0x0], $0xffff;
	_ =	sdelay $0x3  }
0x7d: {  	v25 =	vand.u32 $0x1, v25;
	v26 =	vshll.u32 v26, $0x1  }
0x7e: {  	v27 =	vand.u32 $0x1, v27;
	v28 =	vshll.u32 v28, $0x1;
	v59 =	vand.u32 $0x7E, v26  }
0x7f: {  	v26 =	vand.u32 $0xFFFFFF80, v26;
	v25 =	vor.u32 v59, v25;
	v60 =	vand.u32 $0x7E, v28  }
0x80: {  	v25 =	vor.u32 v25, v26;
	v26 =	vand.u32 $0xFFFFFF80, v28;
	v27 =	vor.u32 v60, v27  }
0x81: {  	v25 =	vadd.s32 v10, v25;
	v26 =	vor.u32 v27, v26  }
0x82: {  	v26 =	vadd.s32 v10, v26;
	_ =	sdelay $0x3  }
0x83: {  	[tilespmem:v25+s9+$0x0] =	vst.idx.msk $0xffff, v8  }
0x84: {  	[tilespmem:v26+s9+$0x0] =	vst.idx.msk $0xffff, v8  }
0x85: {  	v25 =	vld [tilespmem:$0x10B0];
	_ =	sdelay $0x4  }
0x86: {  	v26 =	vshrl.u32 v25, $0x1;
	v27 =	vadd.s32 s11, v25  }
0x87: {  	v61 =	vshrl.u32 v27, $0x1;
	_ =	sdelay $0x3  }
0x88: {  	v26 =	vld.idx.msk [tilespmem:v26+s8+$0x0], $0xffff  }
0x89: {  	v28 =	vld.idx.msk [tilespmem:v61+s8+$0x0], $0xffff;
	_ =	sdelay $0x3  }
0x8a: {  	v25 =	vand.u32 $0x1, v25;
	v26 =	vshll.u32 v26, $0x1  }
0x8b: {  	v27 =	vand.u32 $0x1, v27;
	v28 =	vshll.u32 v28, $0x1;
	v62 =	vand.u32 $0x7E, v26  }
0x8c: {  	v26 =	vand.u32 $0xFFFFFF80, v26;
	v25 =	vor.u32 v62, v25;
	v63 =	vand.u32 $0x7E, v28  }
0x8d: {  	v25 =	vor.u32 v25, v26;
	v26 =	vand.u32 $0xFFFFFF80, v28;
	v27 =	vor.u32 v63, v27  }
0x8e: {  	v25 =	vadd.s32 v11, v25;
	v26 =	vor.u32 v27, v26  }
0x8f: {  	v26 =	vadd.s32 v11, v26;
	_ =	sdelay $0x3  }
0x90: {  	[tilespmem:v25+s9+$0x0] =	vst.idx.msk $0xffff, v8  }
0x91: {  	[tilespmem:v26+s9+$0x0] =	vst.idx.msk $0xffff, v8  }
0x92: {  	v25 =	vld.idx.msk [tilespmem:v12+s8+$0x0], $0xffff;
	_ =	sdelay $0x2  }
0x93: {  	s11 =	sshll.u32 s11, $0x1  }
0x94: {  	v26 =	vmov s11  }
0x95: {  	vm8 =	vgt.s32 v26, v1;
	v25 =	vshll.u32 v25, $0x1  }
0x96: {  	v25 =	vadd.s32 v13, v25;
	_ =	sdelay $0x4  }
0x97: {  	[tilespmem:v25+s9+$0x0] =	vst.idx.add.f32.msk vm8, v8  }
0x98: {  	v25 =	vld.idx.msk [tilespmem:v14+s8+$0x0], $0xffff;
	_ =	sdelay $0x4  }
0x99: {  	vm9 =	vgt.s32 v26, v5;
	v25 =	vshll.u32 v25, $0x1  }
0x9a: {  	v25 =	vadd.s32 v13, v25;
	_ =	sdelay $0x4  }
0x9b: {  	[tilespmem:v25+s9+$0x0] =	vst.idx.add.f32.msk vm9, v8  }
0x9c: {  	v25 =	vld.idx.msk [tilespmem:v15+s8+$0x0], $0xffff;
	_ =	sdelay $0x4  }
0x9d: {  	vm10 =	vgt.s32 v26, v6;
	v25 =	vshll.u32 v25, $0x1  }
0x9e: {  	v25 =	vadd.s32 v13, v25;
	_ =	sdelay $0x4  }
0x9f: {  	[tilespmem:v25+s9+$0x0] =	vst.idx.add.f32.msk vm10, v8  }
0xa0: {  	v25 =	vld.idx.msk [tilespmem:v16+s8+$0x0], $0xffff;
	_ =	sdelay $0x4  }
0xa1: {  	vm11 =	vgt.s32 v26, v7;
	v25 =	vshll.u32 v25, $0x1  }
0xa2: {  	v25 =	vadd.s32 v13, v25;
	_ =	sdelay $0x4  }
0xa3: {  	[tilespmem:v25+s9+$0x0] =	vst.idx.add.f32.msk vm11, v8  }
0xa4: {  	v25 =	vld.idx.msk [tilespmem:v17+s8+$0x0], $0xffff;
	_ =	sdelay $0x4  }
0xa5: {  	vm12 =	vgt.s32 v26, v18;
	v25 =	vshll.u32 v25, $0x1  }
0xa6: {  	v25 =	vadd.s32 v13, v25;
	_ =	sdelay $0x4  }
0xa7: {  	[tilespmem:v25+s9+$0x0] =	vst.idx.add.f32.msk vm12, v8  }
0xa8: {  	v25 =	vld.idx.msk [tilespmem:v19+s8+$0x0], $0xffff;
	_ =	sdelay $0x4  }
0xa9: {  	vm13 =	vgt.s32 v26, v20;
	v25 =	vshll.u32 v25, $0x1  }
0xaa: {  	v25 =	vadd.s32 v13, v25;
	_ =	sdelay $0x4  }
0xab: {  	[tilespmem:v25+s9+$0x0] =	vst.idx.add.f32.msk vm13, v8  }
0xac: {  	v25 =	vld.idx.msk [tilespmem:v21+s8+$0x0], $0xffff;
	_ =	sdelay $0x4  }
0xad: {  	vm14 =	vgt.s32 v26, v22;
	v25 =	vshll.u32 v25, $0x1  }
0xae: {  	v25 =	vadd.s32 v13, v25;
	_ =	sdelay $0x4  }
0xaf: {  	[tilespmem:v25+s9+$0x0] =	vst.idx.add.f32.msk vm14, v8  }
0xb0: {  	v25 =	vld.idx.msk [tilespmem:v23+s8+$0x0], $0xffff;
	_ =	sdelay $0x4  }
0xb1: {  	vm15 =	vgt.s32 v26, v24;
	v25 =	vshll.u32 v25, $0x1  }
0xb2: {  	v25 =	vadd.s32 v13, v25;
	_ =	sdelay $0x2  }
0xb3: {  	s10 =	sadd.s32 $0x1, s10  }
0xb4: {  	p0 =	sne.s32 s10, s4  }
.Ltmp3:
0xb5: {  	[tilespmem:v25+s9+$0x0] =	vst.idx.add.f32.msk vm15, v8;
	(pc) =	sbr.rel @p0 .LBB2_2-.Ltmp3, $4  }
0xb6: {  	[hbm4b:s3+s5] =	stream.linear.scatter [tilespmem:s9], [sflag:$0x1], $0x2400, $0x38;
	[tilespmem:$0x3580] =	vst v63  }
0xb7: {  	_ =	swait.ge [sflag:s6], $0x2400  }
0xb8: {  	[sflag:s6] =	ssyncset.done $0x0  }
0xb9: {  	[sflag:s6] =	ssyncadd.s32 $0xFFFFDC00  }
.LBB2_7:
0xba: {  	_ =	sfence.sel $0x180000  }
0xbb: {  	[bflag:$0x0] =	sbarrier.arrive $0xFFFF  }
0xbc: {  	p0 =	sne.s32 s0, $0x0;
	_ =	strace $0x90000047  }
0xbd: {  	s0 =	sadd.s32 @!p0 $0x100000, s1;
	[bflag:$0x2] =	sbarrier.arrive $0xFFFF  }
0xbe: {  	[sflag:s0] =	ssyncadd.tile.s32 @!p0 $0x1;
	_ =	shalt  }
.Lfunc_end2:
_tile_overlayer_lowered:
.L_overlay_start_2:
0xbf: {  	(tag) =	ssettag $0x2  }
0xc0: {  	s0 =	rddreg [dreg:$0x0];
	s2 =	stileid.u32  }
0xc1: {  	s1 =	rddreg [dreg:$0x1];
	p0 =	sne.s32 s2, $0x0  }
0xc2: {  	s3 =	rddreg [dreg:$0x2];
	[bflag:$0x3] =	sbarrier.arrive $0xFFFF;
	s2 =	simm.s32 @!p0 $0x1C01  }
0xc3: {  	[timem:s3], [sflag:s2] =	dma.local @!p0 [hbm:s0], s1  }
0xc4: {  	s0 =	simm.s32 @!p0 $0x1  }
0xc5: {  	_ =	swait.ge @!p0 [sflag:s0], s1  }
0xc6: {  	s1 =	ssub.s32 @!p0 $0x0, s1;
	[sflag:s0] =	ssyncset.done @!p0 $0x0  }
0xc7: {  	[sflag:s0] =	ssyncadd.s32 @!p0 s1  }
0xc8: {  	[bflag:$0x3] =	sbarrier.arrive $0xFFFF  }
0xc9: {  	_ =	shalt  }

</sc_bundles>
